<compile_context>
chip_gen: v7x
topology: tpu7x:2x2x1
jax: 0.10.2.dev20260603
libtpu: 0.0.44.dev20260713+nightly
codegen_flags: <defaults>
</compile_context>

<pallas_src>
import functools
import math

import jax
import jax.numpy as jnp
from jax import lax
from jax.experimental import pallas as pl
from jax.experimental.pallas import tpu as pltpu
from jax.experimental.pallas import tpu_sc as plsc

_N = 10000
_E = 320000
_B = 64
_H = 128
_MAX_NODES = 500
_F32 = jnp.float32

_BLK = 5000
_NB = _N // _BLK

_DN_T = (((0,), (0,)), ((), ()))
_DN_M = (((1,), (0,)), ((), ()))


def _dot(a, b, dn):
    return jax.lax.dot_general(a, b, dn, preferred_element_type=_F32)


def _oh_mask(batch_ref):
    bat = batch_ref[...].reshape(1, _BLK)
    rows = jax.lax.broadcasted_iota(jnp.int32, (_B, 1), 0)
    return bat == rows


def _sums_body(batch_ref, xg_ref, xa_ref, sums_ref, cnt_ref, accx, acccnt):
    i = pl.program_id(0)
    same = _oh_mask(batch_ref)

    @pl.when(i == 0)
    def _init():
        accx[...] = jnp.zeros_like(accx)
        acccnt[...] = jnp.zeros_like(acccnt)

    ohb = same.astype(jnp.bfloat16)
    xcat = jnp.concatenate([xg_ref[...].astype(jnp.bfloat16),
                            xa_ref[...].astype(jnp.bfloat16)], axis=1)
    accx[...] += _dot(ohb, xcat, _DN_M)
    acccnt[...] += jnp.sum(same.astype(_F32), axis=1, keepdims=True)

    @pl.when(i == _NB - 1)
    def _emit():
        sums_ref[...] = accx[...]
        cnt_ref[...] = acccnt[...]


def _gate_fuse_body(ne_ref, sums_ref, cnt_ref, batch_ref, xg_ref, xa_ref,
                    W1_ref, b1_ref, g_ref, be_ref, W2_ref, b2_ref,
                    W3_ref, b3_ref,
                    out_ref, wl_ref, wg_ref, cf_ref, wls, wgs):
    i = pl.program_id(0)

    @pl.when(i == 0)
    def _mlp():
        counts = cnt_ref[...]
        pooled_g = sums_ref[:, 0:_H] / counts
        pooled_a = sums_ref[:, _H:2 * _H] / counts
        nw = ne_ref.shape[0]
        ne = _dot(ne_ref[...], jnp.full((nw, 1), 1.0, _F32), _DN_T)

        n_nodes = counts
        scale = jnp.log(n_nodes + 1.0) * (1.0 / math.log(_MAX_NODES + 1))
        density = ne / (n_nodes * (n_nodes - 1.0) + 1e-08)
        avg_degree = ne / (n_nodes + 1e-08)
        adn = jnp.minimum(avg_degree / 10.0, 1.0)

        num = jnp.sum(pooled_g * pooled_a, axis=1, keepdims=True)
        ngn = jnp.sqrt(jnp.sum(pooled_g * pooled_g, axis=1, keepdims=True))
        nan_ = jnp.sqrt(jnp.sum(pooled_a * pooled_a, axis=1, keepdims=True))
        cos = num / (jnp.maximum(ngn, 1e-08) * jnp.maximum(nan_, 1e-08))
        div = (1.0 - cos) * 0.5

        lane4 = jax.lax.broadcasted_iota(jnp.int32, (_B, 4), 1)
        cf = (jnp.where(lane4 == 0, scale, 0.0)
              + jnp.where(lane4 == 1, density, 0.0)
              + jnp.where(lane4 == 2, adn, 0.0)
              + jnp.where(lane4 == 3, div, 0.0))
        cf_ref[...] = cf

        h = (_dot(pooled_g, W1_ref[0:_H, :], _DN_M)
             + _dot(pooled_a, W1_ref[_H:2 * _H, :], _DN_M)
             + _dot(cf, W1_ref[2 * _H:2 * _H + 4, :], _DN_M)
             + b1_ref[...].reshape(1, _H))
        mu = jnp.mean(h, axis=1, keepdims=True)
        var = jnp.mean((h - mu) ** 2, axis=1, keepdims=True)
        h = ((h - mu) * jax.lax.rsqrt(var + 1e-05)
             * g_ref[...].reshape(1, _H) + be_ref[...].reshape(1, _H))
        h = jnp.maximum(h, 0.0)
        h2 = jnp.maximum(
            _dot(h, W2_ref[...], _DN_M) + b2_ref[...].reshape(1, _H // 2),
            0.0)
        raw = _dot(h2, W3_ref[...], _DN_M) + b3_ref[...].reshape(1, 2)
        raw_l = raw[:, 0:1]
        raw_g = raw[:, 1:2]
        m = jnp.maximum(raw_l, raw_g)
        el = jnp.exp(raw_l - m)
        eg = jnp.exp(raw_g - m)
        s = el + eg
        wl = el / s
        wg = eg / s
        wl_ref[...] = wl.reshape(_B)
        wg_ref[...] = wg.reshape(_B)
        wls[...] = wl
        wgs[...] = wg

    ohf = _oh_mask(batch_ref).astype(_F32)
    wn_l = _dot(ohf, wls[...], _DN_T)
    wn_g = _dot(ohf, wgs[...], _DN_T)
    out_ref[...] = wn_l * xg_ref[...] + wn_g * xa_ref[...]


def _sc_edge_hist(edge_index, batch):
    info = plsc.get_sparse_core_info()
    nc, ns, nl = info.num_cores, info.num_subcores, info.num_lanes
    nw = nc * ns
    tiles = _E // 128
    tpw = tiles // nw
    cols = tpw * 128
    ntail = tiles - tpw * nw
    tail0 = tpw * nw * 128
    mesh = plsc.VectorSubcoreMesh(core_axis_name="c", subcore_axis_name="s")

    @functools.partial(
        pl.kernel, mesh=mesh,
        compiler_params=pltpu.CompilerParams(needs_layout_passes=False),
        out_type=jax.ShapeDtypeStruct((nw, _B), _F32),
        scratch_types=[
            pltpu.VMEM((_N,), jnp.int32),
            pltpu.VMEM((2, cols), jnp.int32),
            pltpu.VMEM((2, 128), jnp.int32),
            pltpu.VMEM((_B,), _F32),
            pltpu.VMEM((_B,), _F32),
            pltpu.SemaphoreType.DMA,
            pltpu.SemaphoreType.DMA,
        ],
    )
    def sc_kern(edge_hbm, batch_hbm, out_hbm, batch_v, ev_v, tail_v,
                cnt_v, cnt2_v, sem_b, sem_e):
        wid = lax.axis_index("s") * nc + lax.axis_index("c")
        half = cols // 2
        base0 = wid * cols
        cp_b = pltpu.async_copy(batch_hbm, batch_v, sem_b)
        cp_e0 = pltpu.async_copy(edge_hbm.at[:, pl.ds(base0, half)],
                                 ev_v.at[:, pl.ds(0, half)], sem_e)
        cp_b.wait()
        cp_e0.wait()
        cp_e1 = pltpu.async_copy(edge_hbm.at[:, pl.ds(base0 + half, half)],
                                 ev_v.at[:, pl.ds(half, half)], sem_e)
        zeros = jnp.zeros((nl,), _F32)
        for k in range(_B // nl):
            cnt_v[pl.ds(k * nl, nl)] = zeros
            cnt2_v[pl.ds(k * nl, nl)] = zeros
        ones = jnp.ones((nl,), _F32)
        unroll = 8
        step = unroll * nl

        def make_body(ev_ref):
            def body(j, carry):
                base_j = j * step
                gathered = []
                for u in range(unroll):
                    sl = ev_ref[0, pl.ds(base_j + u * nl, nl)]
                    dl = ev_ref[1, pl.ds(base_j + u * nl, nl)]
                    bs = plsc.load_gather(batch_v, [sl])
                    bd = plsc.load_gather(batch_v, [dl])
                    gathered.append((bs, bd))
                for u, (bs, bd) in enumerate(gathered):
                    tgt = cnt_v if u % 2 == 0 else cnt2_v
                    plsc.addupdate_scatter(tgt, [bs], ones, mask=bs == bd)
                return carry
            return body

        lax.fori_loop(0, half // step, make_body(ev_v), 0)
        cp_e1.wait()
        lax.fori_loop(half // step, cols // step, make_body(ev_v), 0)

        @pl.when(wid < ntail)
        def _tail():
            pltpu.sync_copy(edge_hbm.at[:, pl.ds(tail0 + wid * 128, 128)],
                            tail_v)
            lax.fori_loop(0, 1, make_body(tail_v), 0)

        for k in range(_B // nl):
            sl = pl.ds(k * nl, nl)
            cnt_v[sl] = cnt_v[sl] + cnt2_v[sl]
        pltpu.sync_copy(cnt_v, out_hbm.at[wid])

    return sc_kern(edge_index, batch)


def kernel(x_ggnn, x_appnp, edge_index, batch, W1, b1, gamma, beta,
           W2, b2, W3, b3):
    ne32 = _sc_edge_hist(edge_index, batch)
    batch3d = batch.reshape(_NB, 1, _BLK)

    blk_batch = pl.BlockSpec((1, 1, _BLK), lambda i: (i, 0, 0))
    blk_x = pl.BlockSpec((_BLK, _H), lambda i: (i, 0))
    full1 = lambda i: (0, 0)

    sums, cnt = pl.pallas_call(
        _sums_body,
        grid=(_NB,),
        in_specs=[blk_batch, blk_x, blk_x],
        out_specs=[pl.BlockSpec((_B, 2 * _H), full1),
                   pl.BlockSpec((_B, 1), full1)],
        out_shape=[jax.ShapeDtypeStruct((_B, 2 * _H), _F32),
                   jax.ShapeDtypeStruct((_B, 1), _F32)],
        scratch_shapes=[pltpu.VMEM((_B, 2 * _H), _F32),
                        pltpu.VMEM((_B, 1), _F32)],
    )(batch3d, x_ggnn, x_appnp)

    nw = ne32.shape[0]
    out, wl, wg, cf = pl.pallas_call(
        _gate_fuse_body,
        grid=(_NB,),
        in_specs=[
            pl.BlockSpec((nw, _B), full1),
            pl.BlockSpec((_B, 2 * _H), full1),
            pl.BlockSpec((_B, 1), full1),
            blk_batch,
            blk_x,
            blk_x,
            pl.BlockSpec((2 * _H + 4, _H), full1),
            pl.BlockSpec((_H,), lambda i: (0,)),
            pl.BlockSpec((_H,), lambda i: (0,)),
            pl.BlockSpec((_H,), lambda i: (0,)),
            pl.BlockSpec((_H, _H // 2), full1),
            pl.BlockSpec((_H // 2,), lambda i: (0,)),
            pl.BlockSpec((_B, 2), full1),
            pl.BlockSpec((2,), lambda i: (0,)),
        ],
        out_specs=[
            pl.BlockSpec((_BLK, _H), lambda i: (i, 0)),
            pl.BlockSpec((_B,), lambda i: (0,)),
            pl.BlockSpec((_B,), lambda i: (0,)),
            pl.BlockSpec((_B, 4), full1),
        ],
        out_shape=[
            jax.ShapeDtypeStruct((_N, _H), _F32),
            jax.ShapeDtypeStruct((_B,), _F32),
            jax.ShapeDtypeStruct((_B,), _F32),
            jax.ShapeDtypeStruct((_B, 4), _F32),
        ],
        scratch_shapes=[pltpu.VMEM((_B, 1), _F32),
                        pltpu.VMEM((_B, 1), _F32)],
    )(ne32, sums, cnt, batch3d, x_ggnn, x_appnp, W1, b1, gamma,
      beta, W2, b2, W3, b3)

    return out, wl, wg, cf

# --- scband reference (transcript-rebuilt; emitter-appended) ---
"""Pipeline reference for scband-local-global-adaptive-fusion-18631568130346 (READ-ONLY COPY).

The authoritative reference and input builder live on the scoring server;
editing this copy changes nothing except your own understanding.
"""

import jax, jax.numpy as jnp
import numpy as np

N = 10000
E = 320000
B = 64
HIDDEN = 128
MAX_NODES = 500
TEMP = 1.0


def setup_inputs(seed: int = 0) -> dict:
    key = jax.random.key(seed)
    ks = jax.random.split(key, 12)
    x_ggnn = jax.random.normal(ks[0], (N, HIDDEN), dtype=jnp.float32)
    x_appnp = jax.random.normal(ks[1], (N, HIDDEN), dtype=jnp.float32)
    edge_index = jax.random.randint(ks[2], (2, E), 0, N, dtype=jnp.int32)
    batch = jnp.sort(jax.random.randint(ks[3], (N,), 0, B, dtype=jnp.int32))
    gate_in_dim = 2 * HIDDEN + 4
    W1 = jax.random.normal(ks[4], (gate_in_dim, HIDDEN), dtype=jnp.float32) * 0.05
    b1 = jnp.zeros((HIDDEN,), dtype=jnp.float32)
    gamma = jnp.ones((HIDDEN,), dtype=jnp.float32)
    beta = jnp.zeros((HIDDEN,), dtype=jnp.float32)
    W2 = jax.random.normal(ks[5], (HIDDEN, HIDDEN // 2), dtype=jnp.float32) * 0.05
    b2 = jnp.zeros((HIDDEN // 2,), dtype=jnp.float32)
    W3 = jax.random.normal(ks[6], (HIDDEN // 2, 2), dtype=jnp.float32) * 0.01
    b3 = jnp.zeros((2,), dtype=jnp.float32)
    return {"x_ggnn": x_ggnn, "x_appnp": x_appnp, "edge_index": edge_index, "batch": batch,
            "W1": W1, "b1": b1, "gamma": gamma, "beta": beta, "W2": W2, "b2": b2, "W3": W3, "b3": b3}


def _forward(x_ggnn, x_appnp, edge_index, batch, W1, b1, gamma, beta, W2, b2, W3, b3):
    bsz = B
    counts = jax.ops.segment_sum(jnp.ones((x_ggnn.shape[0],), jnp.float32), batch, num_segments=bsz)
    # complexity features (detached in the original: built via torch.tensor from python floats)
    src_b = batch[edge_index[0]]
    dst_b = batch[edge_index[1]]
    same = (src_b == dst_b).astype(jnp.float32)
    n_edges = jax.ops.segment_sum(same, src_b, num_segments=bsz)
    n_nodes = counts
    scale = jnp.log(n_nodes + 1.0) / np.log(MAX_NODES + 1)
    density = n_edges / (n_nodes * (n_nodes - 1.0) + 1e-08)
    avg_degree = n_edges / (n_nodes + 1e-08)
    avg_degree_norm = jnp.minimum(avg_degree / 10.0, 1.0)
    sum_g = jax.ops.segment_sum(x_ggnn, batch, num_segments=bsz)
    sum_a = jax.ops.segment_sum(x_appnp, batch, num_segments=bsz)
    pooled_g = sum_g / counts[:, None]
    pooled_a = sum_a / counts[:, None]
    num = jnp.sum(pooled_g * pooled_a, axis=1)
    ng = jnp.sqrt(jnp.sum(pooled_g * pooled_g, axis=1))
    na = jnp.sqrt(jnp.sum(pooled_a * pooled_a, axis=1))
    cos = num / (jnp.maximum(ng, 1e-08) * jnp.maximum(na, 1e-08))
    divergence = (1.0 - cos) / 2.0
    cf = jnp.stack([scale, density, avg_degree_norm, divergence], axis=1)
    cf = jax.lax.stop_gradient(cf)
    gate_input = jnp.concatenate([pooled_g, pooled_a, cf], axis=1)
    h = gate_input @ W1 + b1
    mu = jnp.mean(h, axis=-1, keepdims=True)
    var = jnp.mean((h - mu) ** 2, axis=-1, keepdims=True)
    h = (h - mu) / jnp.sqrt(var + 1e-05) * gamma + beta
    h = jax.nn.relu(h)
    # dropout is identity in eval mode
    h = jax.nn.relu(h @ W2 + b2)
    raw = h @ W3 + b3
    w = jax.nn.softmax(raw / TEMP, axis=1)
    w_local = w[:, 0]
    w_global = w[:, 1]
    x_fused = w_local[batch][:, None] * x_ggnn + w_global[batch][:, None] * x_appnp
    return x_fused, w_local, w_global, cf


def reference(x_ggnn, x_appnp, edge_index, batch, W1, b1, gamma, beta, W2, b2, W3, b3):
    return _forward(x_ggnn, x_appnp, edge_index, batch, W1, b1, gamma, beta, W2, b2, W3, b3)

if __name__ == "__main__":
    import jax
    _d = setup_inputs()
    print(jax.jit(kernel)(*tuple(_d.values())))

</pallas_src>

<mosaic_0001>
#map = affine_map<(d0, d1) -> (0, 0)>
#map1 = affine_map<(d0, d1) -> (0)>
module attributes {stable_mosaic.version = 14 : i64} {
  func.func @sc_kern(%arg0: i32, %arg1: i32, %arg2: memref<2x320000xi32, #tpu.memory_space<hbm>>, %arg3: memref<10000xi32, #tpu.memory_space<hbm>>, %arg4: memref<32x64xf32, #tpu.memory_space<hbm>>, %arg5: memref<10000xi32, #tpu.memory_space<vmem>>, %arg6: memref<2x9984xi32, #tpu.memory_space<vmem>>, %arg7: memref<2x128xi32, #tpu.memory_space<vmem>>, %arg8: memref<64xf32, #tpu.memory_space<vmem>>, %arg9: memref<64xf32, #tpu.memory_space<vmem>>, %arg10: memref<!tpu.dma_semaphore, #tpu.memory_space<semaphore_mem>>, %arg11: memref<!tpu.dma_semaphore, #tpu.memory_space<semaphore_mem>>) attributes {dimension_semantics = [#tpu.dimension_semantics<core_parallel>, #tpu.dimension_semantics<subcore_parallel>], iteration_bounds = array<i64: 2, 16>, scalar_prefetch = 0 : i64, scratch_operands = 7 : i64, tpu.core_type = #tpu.core_type<sc_vector_subcore>, window_params = [{transform_indices = #map}, {transform_indices = #map1}, {transform_indices = #map}]} {
    %mul3A = arith.constant 2 : i32
    %mul3A_0 = arith.muli %arg1, %mul3A : i32
    %add3A = arith.addi %mul3A_0, %arg0 : i32
    %mul3A_1 = arith.constant 9984 : i32
    %mul3A_2 = arith.muli %add3A, %mul3A_1 : i32
    tpu.enqueue_dma source(%arg3 : memref<10000xi32, #tpu.memory_space<hbm>>) target(%arg5 : memref<10000xi32, #tpu.memory_space<vmem>>) target_semaphore(%arg10 : memref<!tpu.dma_semaphore, #tpu.memory_space<semaphore_mem>>)
    %dma_start3A = arith.constant 0 : i32
    %dma_start3A_3 = arith.constant 0 : i32
    %dma_start3A_4 = tpu.memref_slice %arg6[%dma_start3A, %dma_start3A_3] : memref<2x9984xi32, #tpu.memory_space<vmem>> -> memref<2x4992xi32, #tpu.memory_space<vmem>>
    %dma_start3A_5 = arith.constant 0 : i32
    %dma_start3A_6 = tpu.memref_slice %arg2[%dma_start3A_5, %mul3A_2] : memref<2x320000xi32, #tpu.memory_space<hbm>> -> memref<2x4992xi32, #tpu.memory_space<hbm>>
    %dma_start3A_7 = arith.constant 0 : i32
    %dma_start3A_8 = arith.constant 0 : i32
    %dma_start3A_9 = tpu.memref_slice %arg6[%dma_start3A_7, %dma_start3A_8] : memref<2x9984xi32, #tpu.memory_space<vmem>> -> memref<2x4992xi32, #tpu.memory_space<vmem>>
    %dma_start3A_10 = arith.constant 0 : i32
    %dma_start3A_11 = tpu.memref_slice %arg2[%dma_start3A_10, %mul3A_2] : memref<2x320000xi32, #tpu.memory_space<hbm>> -> memref<2x4992xi32, #tpu.memory_space<hbm>>
    tpu.enqueue_dma source(%dma_start3A_11 : memref<2x4992xi32, #tpu.memory_space<hbm>>) target(%dma_start3A_9 : memref<2x4992xi32, #tpu.memory_space<vmem>>) target_semaphore(%arg11 : memref<!tpu.dma_semaphore, #tpu.memory_space<semaphore_mem>>)
    tpu.wait_dma2 semaphore(%arg10 : memref<!tpu.dma_semaphore, #tpu.memory_space<semaphore_mem>>) src(%arg3 : memref<10000xi32, #tpu.memory_space<hbm>>) dst(%arg5 : memref<10000xi32, #tpu.memory_space<vmem>>)
    %dma_wait3A = arith.constant 0 : i32
    %dma_wait3A_12 = arith.constant 0 : i32
    %dma_wait3A_13 = tpu.memref_slice %arg6[%dma_wait3A, %dma_wait3A_12] : memref<2x9984xi32, #tpu.memory_space<vmem>> -> memref<2x4992xi32, #tpu.memory_space<vmem>>
    %dma_wait3A_14 = arith.constant 0 : i32
    %dma_wait3A_15 = tpu.memref_slice %arg2[%dma_wait3A_14, %mul3A_2] : memref<2x320000xi32, #tpu.memory_space<hbm>> -> memref<2x4992xi32, #tpu.memory_space<hbm>>
    %dma_wait3A_16 = arith.constant 0 : i32
    %dma_wait3A_17 = arith.constant 0 : i32
    %dma_wait3A_18 = tpu.memref_slice %arg6[%dma_wait3A_16, %dma_wait3A_17] : memref<2x9984xi32, #tpu.memory_space<vmem>> -> memref<2x4992xi32, #tpu.memory_space<vmem>>
    %dma_wait3A_19 = arith.constant 0 : i32
    %dma_wait3A_20 = tpu.memref_slice %arg2[%dma_wait3A_19, %mul3A_2] : memref<2x320000xi32, #tpu.memory_space<hbm>> -> memref<2x4992xi32, #tpu.memory_space<hbm>>
    tpu.wait_dma2 semaphore(%arg11 : memref<!tpu.dma_semaphore, #tpu.memory_space<semaphore_mem>>) src(%dma_wait3A_20 : memref<2x4992xi32, #tpu.memory_space<hbm>>) dst(%dma_wait3A_18 : memref<2x4992xi32, #tpu.memory_space<vmem>>)
    %add3A_21 = arith.constant 4992 : i32
    %add3A_22 = arith.addi %mul3A_2, %add3A_21 : i32
    %dma_start3A_23 = arith.constant 0 : i32
    %dma_start3A_24 = arith.constant 4992 : i32
    %dma_start3A_25 = tpu.memref_slice %arg6[%dma_start3A_23, %dma_start3A_24] : memref<2x9984xi32, #tpu.memory_space<vmem>> -> memref<2x4992xi32, #tpu.memory_space<vmem>>
    %dma_start3A_26 = arith.constant 0 : i32
    %dma_start3A_27 = tpu.memref_slice %arg2[%dma_start3A_26, %add3A_22] : memref<2x320000xi32, #tpu.memory_space<hbm>> -> memref<2x4992xi32, #tpu.memory_space<hbm>>
    %dma_start3A_28 = arith.constant 0 : i32
    %dma_start3A_29 = arith.constant 4992 : i32
    %dma_start3A_30 = tpu.memref_slice %arg6[%dma_start3A_28, %dma_start3A_29] : memref<2x9984xi32, #tpu.memory_space<vmem>> -> memref<2x4992xi32, #tpu.memory_space<vmem>>
    %dma_start3A_31 = arith.constant 0 : i32
    %dma_start3A_32 = tpu.memref_slice %arg2[%dma_start3A_31, %add3A_22] : memref<2x320000xi32, #tpu.memory_space<hbm>> -> memref<2x4992xi32, #tpu.memory_space<hbm>>
    tpu.enqueue_dma source(%dma_start3A_32 : memref<2x4992xi32, #tpu.memory_space<hbm>>) target(%dma_start3A_30 : memref<2x4992xi32, #tpu.memory_space<vmem>>) target_semaphore(%arg11 : memref<!tpu.dma_semaphore, #tpu.memory_space<semaphore_mem>>)
    %broadcast_in_dim3A = arith.constant 0.000000e+00 : f32
    %broadcast_in_dim3A_33 = vector.broadcast %broadcast_in_dim3A : f32 to vector<16xf32>
    %swap3A = arith.constant 0 : index
    %swap3A_34 = tpu.vector_load %arg8[%swap3A] {strides = array<i32>} : memref<64xf32, #tpu.memory_space<vmem>>, vector<16xf32>,
    tpu.vector_store %arg8[%swap3A], %broadcast_in_dim3A_33 {strides = array<i32>} : memref<64xf32, #tpu.memory_space<vmem>>, vector<16xf32>,
    %swap3A_35 = arith.constant 0 : index
    %swap3A_36 = tpu.vector_load %arg9[%swap3A_35] {strides = array<i32>} : memref<64xf32, #tpu.memory_space<vmem>>, vector<16xf32>,
    tpu.vector_store %arg9[%swap3A_35], %broadcast_in_dim3A_33 {strides = array<i32>} : memref<64xf32, #tpu.memory_space<vmem>>, vector<16xf32>,
    %swap3A_37 = arith.constant 16 : index
    %swap3A_38 = tpu.vector_load %arg8[%swap3A_37] {strides = array<i32>} : memref<64xf32, #tpu.memory_space<vmem>>, vector<16xf32>,
    tpu.vector_store %arg8[%swap3A_37], %broadcast_in_dim3A_33 {strides = array<i32>} : memref<64xf32, #tpu.memory_space<vmem>>, vector<16xf32>,
    %swap3A_39 = arith.constant 16 : index
    %swap3A_40 = tpu.vector_load %arg9[%swap3A_39] {strides = array<i32>} : memref<64xf32, #tpu.memory_space<vmem>>, vector<16xf32>,
    tpu.vector_store %arg9[%swap3A_39], %broadcast_in_dim3A_33 {strides = array<i32>} : memref<64xf32, #tpu.memory_space<vmem>>, vector<16xf32>,
    %swap3A_41 = arith.constant 32 : index
    %swap3A_42 = tpu.vector_load %arg8[%swap3A_41] {strides = array<i32>} : memref<64xf32, #tpu.memory_space<vmem>>, vector<16xf32>,
    tpu.vector_store %arg8[%swap3A_41], %broadcast_in_dim3A_33 {strides = array<i32>} : memref<64xf32, #tpu.memory_space<vmem>>, vector<16xf32>,
    %swap3A_43 = arith.constant 32 : index
    %swap3A_44 = tpu.vector_load %arg9[%swap3A_43] {strides = array<i32>} : memref<64xf32, #tpu.memory_space<vmem>>, vector<16xf32>,
    tpu.vector_store %arg9[%swap3A_43], %broadcast_in_dim3A_33 {strides = array<i32>} : memref<64xf32, #tpu.memory_space<vmem>>, vector<16xf32>,
    %swap3A_45 = arith.constant 48 : index
    %swap3A_46 = tpu.vector_load %arg8[%swap3A_45] {strides = array<i32>} : memref<64xf32, #tpu.memory_space<vmem>>, vector<16xf32>,
    tpu.vector_store %arg8[%swap3A_45], %broadcast_in_dim3A_33 {strides = array<i32>} : memref<64xf32, #tpu.memory_space<vmem>>, vector<16xf32>,
    %swap3A_47 = arith.constant 48 : index
    %swap3A_48 = tpu.vector_load %arg9[%swap3A_47] {strides = array<i32>} : memref<64xf32, #tpu.memory_space<vmem>>, vector<16xf32>,
    tpu.vector_store %arg9[%swap3A_47], %broadcast_in_dim3A_33 {strides = array<i32>} : memref<64xf32, #tpu.memory_space<vmem>>, vector<16xf32>,
    %broadcast_in_dim3A_49 = arith.constant 1.000000e+00 : f32
    %broadcast_in_dim3A_50 = vector.broadcast %broadcast_in_dim3A_49 : f32 to vector<16xf32>
    %scan3A = arith.constant 0 : i32
    %scan3A_51 = arith.constant 0 : i32
    %scan3A_52 = arith.constant 39 : i32
    %scan3A_53 = arith.addi %scan3A_51, %scan3A_52 : i32
    %scan3A_54 = arith.constant 1 : i32
    scf.for %scan3A_101 = %scan3A_51 to %scan3A_53 step %scan3A_54  : i32 {
      %mul3A_102 = arith.constant 128 : i32
      %mul3A_103 = arith.muli %scan3A_101, %mul3A_102 : i32
      %add3A_104 = arith.constant 0 : i32
      %add3A_105 = arith.addi %mul3A_103, %add3A_104 : i32
      %get3A_106 = arith.constant 0 : i32
      %get3A_107 = arith.index_cast %get3A_106 : i32 to index
      %get3A_108 = arith.index_cast %add3A_105 : i32 to index
      %get3A_109 = tpu.vector_load %arg6[%get3A_107, %get3A_108] {strides = array<i32>} : memref<2x9984xi32, #tpu.memory_space<vmem>>, vector<16xi32>,
      %add3A_110 = arith.constant 0 : i32
      %add3A_111 = arith.addi %mul3A_103, %add3A_110 : i32
      %get3A_112 = arith.constant 1 : i32
      %get3A_113 = arith.index_cast %get3A_112 : i32 to index
      %get3A_114 = arith.index_cast %add3A_111 : i32 to index
      %get3A_115 = tpu.vector_load %arg6[%get3A_113, %get3A_114] {strides = array<i32>} : memref<2x9984xi32, #tpu.memory_space<vmem>>, vector<16xi32>,
      %gather3A = tpu.vector_load_idx %arg5[%get3A_109] : memref<10000xi32, #tpu.memory_space<vmem>>[vector<16xi32>], vector<16xi32>,
      %gather3A_116 = tpu.vector_load_idx %arg5[%get3A_115] : memref<10000xi32, #tpu.memory_space<vmem>>[vector<16xi32>], vector<16xi32>,
      %add3A_117 = arith.constant 16 : i32
      %add3A_118 = arith.addi %mul3A_103, %add3A_117 : i32
      %get3A_119 = arith.constant 0 : i32
      %get3A_120 = arith.index_cast %get3A_119 : i32 to index
      %get3A_121 = arith.index_cast %add3A_118 : i32 to index
      %get3A_122 = tpu.vector_load %arg6[%get3A_120, %get3A_121] {strides = array<i32>} : memref<2x9984xi32, #tpu.memory_space<vmem>>, vector<16xi32>,
      %add3A_123 = arith.constant 16 : i32
      %add3A_124 = arith.addi %mul3A_103, %add3A_123 : i32
      %get3A_125 = arith.constant 1 : i32
      %get3A_126 = arith.index_cast %get3A_125 : i32 to index
      %get3A_127 = arith.index_cast %add3A_124 : i32 to index
      %get3A_128 = tpu.vector_load %arg6[%get3A_126, %get3A_127] {strides = array<i32>} : memref<2x9984xi32, #tpu.memory_space<vmem>>, vector<16xi32>,
      %gather3A_129 = tpu.vector_load_idx %arg5[%get3A_122] : memref<10000xi32, #tpu.memory_space<vmem>>[vector<16xi32>], vector<16xi32>,
      %gather3A_130 = tpu.vector_load_idx %arg5[%get3A_128] : memref<10000xi32, #tpu.memory_space<vmem>>[vector<16xi32>], vector<16xi32>,
      %add3A_131 = arith.constant 32 : i32
      %add3A_132 = arith.addi %mul3A_103, %add3A_131 : i32
      %get3A_133 = arith.constant 0 : i32
      %get3A_134 = arith.index_cast %get3A_133 : i32 to index
      %get3A_135 = arith.index_cast %add3A_132 : i32 to index
      %get3A_136 = tpu.vector_load %arg6[%get3A_134, %get3A_135] {strides = array<i32>} : memref<2x9984xi32, #tpu.memory_space<vmem>>, vector<16xi32>,
      %add3A_137 = arith.constant 32 : i32
      %add3A_138 = arith.addi %mul3A_103, %add3A_137 : i32
      %get3A_139 = arith.constant 1 : i32
      %get3A_140 = arith.index_cast %get3A_139 : i32 to index
      %get3A_141 = arith.index_cast %add3A_138 : i32 to index
      %get3A_142 = tpu.vector_load %arg6[%get3A_140, %get3A_141] {strides = array<i32>} : memref<2x9984xi32, #tpu.memory_space<vmem>>, vector<16xi32>,
      %gather3A_143 = tpu.vector_load_idx %arg5[%get3A_136] : memref<10000xi32, #tpu.memory_space<vmem>>[vector<16xi32>], vector<16xi32>,
      %gather3A_144 = tpu.vector_load_idx %arg5[%get3A_142] : memref<10000xi32, #tpu.memory_space<vmem>>[vector<16xi32>], vector<16xi32>,
      %add3A_145 = arith.constant 48 : i32
      %add3A_146 = arith.addi %mul3A_103, %add3A_145 : i32
      %get3A_147 = arith.constant 0 : i32
      %get3A_148 = arith.index_cast %get3A_147 : i32 to index
      %get3A_149 = arith.index_cast %add3A_146 : i32 to index
      %get3A_150 = tpu.vector_load %arg6[%get3A_148, %get3A_149] {strides = array<i32>} : memref<2x9984xi32, #tpu.memory_space<vmem>>, vector<16xi32>,
      %add3A_151 = arith.constant 48 : i32
      %add3A_152 = arith.addi %mul3A_103, %add3A_151 : i32
      %get3A_153 = arith.constant 1 : i32
      %get3A_154 = arith.index_cast %get3A_153 : i32 to index
      %get3A_155 = arith.index_cast %add3A_152 : i32 to index
      %get3A_156 = tpu.vector_load %arg6[%get3A_154, %get3A_155] {strides = array<i32>} : memref<2x9984xi32, #tpu.memory_space<vmem>>, vector<16xi32>,
      %gather3A_157 = tpu.vector_load_idx %arg5[%get3A_150] : memref<10000xi32, #tpu.memory_space<vmem>>[vector<16xi32>], vector<16xi32>,
      %gather3A_158 = tpu.vector_load_idx %arg5[%get3A_156] : memref<10000xi32, #tpu.memory_space<vmem>>[vector<16xi32>], vector<16xi32>,
      %add3A_159 = arith.constant 64 : i32
      %add3A_160 = arith.addi %mul3A_103, %add3A_159 : i32
      %get3A_161 = arith.constant 0 : i32
      %get3A_162 = arith.index_cast %get3A_161 : i32 to index
      %get3A_163 = arith.index_cast %add3A_160 : i32 to index
      %get3A_164 = tpu.vector_load %arg6[%get3A_162, %get3A_163] {strides = array<i32>} : memref<2x9984xi32, #tpu.memory_space<vmem>>, vector<16xi32>,
      %add3A_165 = arith.constant 64 : i32
      %add3A_166 = arith.addi %mul3A_103, %add3A_165 : i32
      %get3A_167 = arith.constant 1 : i32
      %get3A_168 = arith.index_cast %get3A_167 : i32 to index
      %get3A_169 = arith.index_cast %add3A_166 : i32 to index
      %get3A_170 = tpu.vector_load %arg6[%get3A_168, %get3A_169] {strides = array<i32>} : memref<2x9984xi32, #tpu.memory_space<vmem>>, vector<16xi32>,
      %gather3A_171 = tpu.vector_load_idx %arg5[%get3A_164] : memref<10000xi32, #tpu.memory_space<vmem>>[vector<16xi32>], vector<16xi32>,
      %gather3A_172 = tpu.vector_load_idx %arg5[%get3A_170] : memref<10000xi32, #tpu.memory_space<vmem>>[vector<16xi32>], vector<16xi32>,
      %add3A_173 = arith.constant 80 : i32
      %add3A_174 = arith.addi %mul3A_103, %add3A_173 : i32
      %get3A_175 = arith.constant 0 : i32
      %get3A_176 = arith.index_cast %get3A_175 : i32 to index
      %get3A_177 = arith.index_cast %add3A_174 : i32 to index
      %get3A_178 = tpu.vector_load %arg6[%get3A_176, %get3A_177] {strides = array<i32>} : memref<2x9984xi32, #tpu.memory_space<vmem>>, vector<16xi32>,
      %add3A_179 = arith.constant 80 : i32
      %add3A_180 = arith.addi %mul3A_103, %add3A_179 : i32
      %get3A_181 = arith.constant 1 : i32
      %get3A_182 = arith.index_cast %get3A_181 : i32 to index
      %get3A_183 = arith.index_cast %add3A_180 : i32 to index
      %get3A_184 = tpu.vector_load %arg6[%get3A_182, %get3A_183] {strides = array<i32>} : memref<2x9984xi32, #tpu.memory_space<vmem>>, vector<16xi32>,
      %gather3A_185 = tpu.vector_load_idx %arg5[%get3A_178] : memref<10000xi32, #tpu.memory_space<vmem>>[vector<16xi32>], vector<16xi32>,
      %gather3A_186 = tpu.vector_load_idx %arg5[%get3A_184] : memref<10000xi32, #tpu.memory_space<vmem>>[vector<16xi32>], vector<16xi32>,
      %add3A_187 = arith.constant 96 : i32
      %add3A_188 = arith.addi %mul3A_103, %add3A_187 : i32
      %get3A_189 = arith.constant 0 : i32
      %get3A_190 = arith.index_cast %get3A_189 : i32 to index
      %get3A_191 = arith.index_cast %add3A_188 : i32 to index
      %get3A_192 = tpu.vector_load %arg6[%get3A_190, %get3A_191] {strides = array<i32>} : memref<2x9984xi32, #tpu.memory_space<vmem>>, vector<16xi32>,
      %add3A_193 = arith.constant 96 : i32
      %add3A_194 = arith.addi %mul3A_103, %add3A_193 : i32
      %get3A_195 = arith.constant 1 : i32
      %get3A_196 = arith.index_cast %get3A_195 : i32 to index
      %get3A_197 = arith.index_cast %add3A_194 : i32 to index
      %get3A_198 = tpu.vector_load %arg6[%get3A_196, %get3A_197] {strides = array<i32>} : memref<2x9984xi32, #tpu.memory_space<vmem>>, vector<16xi32>,
      %gather3A_199 = tpu.vector_load_idx %arg5[%get3A_192] : memref<10000xi32, #tpu.memory_space<vmem>>[vector<16xi32>], vector<16xi32>,
      %gather3A_200 = tpu.vector_load_idx %arg5[%get3A_198] : memref<10000xi32, #tpu.memory_space<vmem>>[vector<16xi32>], vector<16xi32>,
      %add3A_201 = arith.constant 112 : i32
      %add3A_202 = arith.addi %mul3A_103, %add3A_201 : i32
      %get3A_203 = arith.constant 0 : i32
      %get3A_204 = arith.index_cast %get3A_203 : i32 to index
      %get3A_205 = arith.index_cast %add3A_202 : i32 to index
      %get3A_206 = tpu.vector_load %arg6[%get3A_204, %get3A_205] {strides = array<i32>} : memref<2x9984xi32, #tpu.memory_space<vmem>>, vector<16xi32>,
      %add3A_207 = arith.constant 112 : i32
      %add3A_208 = arith.addi %mul3A_103, %add3A_207 : i32
      %get3A_209 = arith.constant 1 : i32
      %get3A_210 = arith.index_cast %get3A_209 : i32 to index
      %get3A_211 = arith.index_cast %add3A_208 : i32 to index
      %get3A_212 = tpu.vector_load %arg6[%get3A_210, %get3A_211] {strides = array<i32>} : memref<2x9984xi32, #tpu.memory_space<vmem>>, vector<16xi32>,
      %gather3A_213 = tpu.vector_load_idx %arg5[%get3A_206] : memref<10000xi32, #tpu.memory_space<vmem>>[vector<16xi32>], vector<16xi32>,
      %gather3A_214 = tpu.vector_load_idx %arg5[%get3A_212] : memref<10000xi32, #tpu.memory_space<vmem>>[vector<16xi32>], vector<16xi32>,
      %eq3A = arith.cmpi eq, %gather3A, %gather3A_116 : vector<16xi32>
      tpu.vector_store_idx %arg8[%gather3A], %broadcast_in_dim3A_50 masked %eq3A {add = true} : memref<64xf32, #tpu.memory_space<vmem>>[vector<16xi32>], vector<16xf32>, vector<16xi1>
      %eq3A_215 = arith.cmpi eq, %gather3A_129, %gather3A_130 : vector<16xi32>
      tpu.vector_store_idx %arg9[%gather3A_129], %broadcast_in_dim3A_50 masked %eq3A_215 {add = true} : memref<64xf32, #tpu.memory_space<vmem>>[vector<16xi32>], vector<16xf32>, vector<16xi1>
      %eq3A_216 = arith.cmpi eq, %gather3A_143, %gather3A_144 : vector<16xi32>
      tpu.vector_store_idx %arg8[%gather3A_143], %broadcast_in_dim3A_50 masked %eq3A_216 {add = true} : memref<64xf32, #tpu.memory_space<vmem>>[vector<16xi32>], vector<16xf32>, vector<16xi1>
      %eq3A_217 = arith.cmpi eq, %gather3A_157, %gather3A_158 : vector<16xi32>
      tpu.vector_store_idx %arg9[%gather3A_157], %broadcast_in_dim3A_50 masked %eq3A_217 {add = true} : memref<64xf32, #tpu.memory_space<vmem>>[vector<16xi32>], vector<16xf32>, vector<16xi1>
      %eq3A_218 = arith.cmpi eq, %gather3A_171, %gather3A_172 : vector<16xi32>
      tpu.vector_store_idx %arg8[%gather3A_171], %broadcast_in_dim3A_50 masked %eq3A_218 {add = true} : memref<64xf32, #tpu.memory_space<vmem>>[vector<16xi32>], vector<16xf32>, vector<16xi1>
      %eq3A_219 = arith.cmpi eq, %gather3A_185, %gather3A_186 : vector<16xi32>
      tpu.vector_store_idx %arg9[%gather3A_185], %broadcast_in_dim3A_50 masked %eq3A_219 {add = true} : memref<64xf32, #tpu.memory_space<vmem>>[vector<16xi32>], vector<16xf32>, vector<16xi1>
      %eq3A_220 = arith.cmpi eq, %gather3A_199, %gather3A_200 : vector<16xi32>
      tpu.vector_store_idx %arg8[%gather3A_199], %broadcast_in_dim3A_50 masked %eq3A_220 {add = true} : memref<64xf32, #tpu.memory_space<vmem>>[vector<16xi32>], vector<16xf32>, vector<16xi1>
      %eq3A_221 = arith.cmpi eq, %gather3A_213, %gather3A_214 : vector<16xi32>
      tpu.vector_store_idx %arg9[%gather3A_213], %broadcast_in_dim3A_50 masked %eq3A_221 {add = true} : memref<64xf32, #tpu.memory_space<vmem>>[vector<16xi32>], vector<16xf32>, vector<16xi1>
    }
    %scan3A_55 = arith.constant 39 : i32
    %dma_wait3A_56 = arith.constant 0 : i32
    %dma_wait3A_57 = arith.constant 4992 : i32
    %dma_wait3A_58 = tpu.memref_slice %arg6[%dma_wait3A_56, %dma_wait3A_57] : memref<2x9984xi32, #tpu.memory_space<vmem>> -> memref<2x4992xi32, #tpu.memory_space<vmem>>
    %dma_wait3A_59 = arith.constant 0 : i32
    %dma_wait3A_60 = tpu.memref_slice %arg2[%dma_wait3A_59, %add3A_22] : memref<2x320000xi32, #tpu.memory_space<hbm>> -> memref<2x4992xi32, #tpu.memory_space<hbm>>
    %dma_wait3A_61 = arith.constant 0 : i32
    %dma_wait3A_62 = arith.constant 4992 : i32
    %dma_wait3A_63 = tpu.memref_slice %arg6[%dma_wait3A_61, %dma_wait3A_62] : memref<2x9984xi32, #tpu.memory_space<vmem>> -> memref<2x4992xi32, #tpu.memory_space<vmem>>
    %dma_wait3A_64 = arith.constant 0 : i32
    %dma_wait3A_65 = tpu.memref_slice %arg2[%dma_wait3A_64, %add3A_22] : memref<2x320000xi32, #tpu.memory_space<hbm>> -> memref<2x4992xi32, #tpu.memory_space<hbm>>
    tpu.wait_dma2 semaphore(%arg11 : memref<!tpu.dma_semaphore, #tpu.memory_space<semaphore_mem>>) src(%dma_wait3A_65 : memref<2x4992xi32, #tpu.memory_space<hbm>>) dst(%dma_wait3A_63 : memref<2x4992xi32, #tpu.memory_space<vmem>>)
    %scan3A_66 = arith.constant 0 : i32
    %scan3A_67 = arith.constant 39 : i32
    %scan3A_68 = arith.constant 39 : i32
    %scan3A_69 = arith.addi %scan3A_67, %scan3A_68 : i32
    %scan3A_70 = arith.constant 1 : i32
    scf.for %scan3A_101 = %scan3A_67 to %scan3A_69 step %scan3A_70  : i32 {
      %mul3A_102 = arith.constant 128 : i32
      %mul3A_103 = arith.muli %scan3A_101, %mul3A_102 : i32
      %add3A_104 = arith.constant 0 : i32
      %add3A_105 = arith.addi %mul3A_103, %add3A_104 : i32
      %get3A_106 = arith.constant 0 : i32
      %get3A_107 = arith.index_cast %get3A_106 : i32 to index
      %get3A_108 = arith.index_cast %add3A_105 : i32 to index
      %get3A_109 = tpu.vector_load %arg6[%get3A_107, %get3A_108] {strides = array<i32>} : memref<2x9984xi32, #tpu.memory_space<vmem>>, vector<16xi32>,
      %add3A_110 = arith.constant 0 : i32
      %add3A_111 = arith.addi %mul3A_103, %add3A_110 : i32
      %get3A_112 = arith.constant 1 : i32
      %get3A_113 = arith.index_cast %get3A_112 : i32 to index
      %get3A_114 = arith.index_cast %add3A_111 : i32 to index
      %get3A_115 = tpu.vector_load %arg6[%get3A_113, %get3A_114] {strides = array<i32>} : memref<2x9984xi32, #tpu.memory_space<vmem>>, vector<16xi32>,
      %gather3A = tpu.vector_load_idx %arg5[%get3A_109] : memref<10000xi32, #tpu.memory_space<vmem>>[vector<16xi32>], vector<16xi32>,
      %gather3A_116 = tpu.vector_load_idx %arg5[%get3A_115] : memref<10000xi32, #tpu.memory_space<vmem>>[vector<16xi32>], vector<16xi32>,
      %add3A_117 = arith.constant 16 : i32
      %add3A_118 = arith.addi %mul3A_103, %add3A_117 : i32
      %get3A_119 = arith.constant 0 : i32
      %get3A_120 = arith.index_cast %get3A_119 : i32 to index
      %get3A_121 = arith.index_cast %add3A_118 : i32 to index
      %get3A_122 = tpu.vector_load %arg6[%get3A_120, %get3A_121] {strides = array<i32>} : memref<2x9984xi32, #tpu.memory_space<vmem>>, vector<16xi32>,
      %add3A_123 = arith.constant 16 : i32
      %add3A_124 = arith.addi %mul3A_103, %add3A_123 : i32
      %get3A_125 = arith.constant 1 : i32
      %get3A_126 = arith.index_cast %get3A_125 : i32 to index
      %get3A_127 = arith.index_cast %add3A_124 : i32 to index
      %get3A_128 = tpu.vector_load %arg6[%get3A_126, %get3A_127] {strides = array<i32>} : memref<2x9984xi32, #tpu.memory_space<vmem>>, vector<16xi32>,
      %gather3A_129 = tpu.vector_load_idx %arg5[%get3A_122] : memref<10000xi32, #tpu.memory_space<vmem>>[vector<16xi32>], vector<16xi32>,
      %gather3A_130 = tpu.vector_load_idx %arg5[%get3A_128] : memref<10000xi32, #tpu.memory_space<vmem>>[vector<16xi32>], vector<16xi32>,
      %add3A_131 = arith.constant 32 : i32
      %add3A_132 = arith.addi %mul3A_103, %add3A_131 : i32
      %get3A_133 = arith.constant 0 : i32
      %get3A_134 = arith.index_cast %get3A_133 : i32 to index
      %get3A_135 = arith.index_cast %add3A_132 : i32 to index
      %get3A_136 = tpu.vector_load %arg6[%get3A_134, %get3A_135] {strides = array<i32>} : memref<2x9984xi32, #tpu.memory_space<vmem>>, vector<16xi32>,
      %add3A_137 = arith.constant 32 : i32
      %add3A_138 = arith.addi %mul3A_103, %add3A_137 : i32
      %get3A_139 = arith.constant 1 : i32
      %get3A_140 = arith.index_cast %get3A_139 : i32 to index
      %get3A_141 = arith.index_cast %add3A_138 : i32 to index
      %get3A_142 = tpu.vector_load %arg6[%get3A_140, %get3A_141] {strides = array<i32>} : memref<2x9984xi32, #tpu.memory_space<vmem>>, vector<16xi32>,
      %gather3A_143 = tpu.vector_load_idx %arg5[%get3A_136] : memref<10000xi32, #tpu.memory_space<vmem>>[vector<16xi32>], vector<16xi32>,
      %gather3A_144 = tpu.vector_load_idx %arg5[%get3A_142] : memref<10000xi32, #tpu.memory_space<vmem>>[vector<16xi32>], vector<16xi32>,
      %add3A_145 = arith.constant 48 : i32
      %add3A_146 = arith.addi %mul3A_103, %add3A_145 : i32
      %get3A_147 = arith.constant 0 : i32
      %get3A_148 = arith.index_cast %get3A_147 : i32 to index
      %get3A_149 = arith.index_cast %add3A_146 : i32 to index
      %get3A_150 = tpu.vector_load %arg6[%get3A_148, %get3A_149] {strides = array<i32>} : memref<2x9984xi32, #tpu.memory_space<vmem>>, vector<16xi32>,
      %add3A_151 = arith.constant 48 : i32
      %add3A_152 = arith.addi %mul3A_103, %add3A_151 : i32
      %get3A_153 = arith.constant 1 : i32
      %get3A_154 = arith.index_cast %get3A_153 : i32 to index
      %get3A_155 = arith.index_cast %add3A_152 : i32 to index
      %get3A_156 = tpu.vector_load %arg6[%get3A_154, %get3A_155] {strides = array<i32>} : memref<2x9984xi32, #tpu.memory_space<vmem>>, vector<16xi32>,
      %gather3A_157 = tpu.vector_load_idx %arg5[%get3A_150] : memref<10000xi32, #tpu.memory_space<vmem>>[vector<16xi32>], vector<16xi32>,
      %gather3A_158 = tpu.vector_load_idx %arg5[%get3A_156] : memref<10000xi32, #tpu.memory_space<vmem>>[vector<16xi32>], vector<16xi32>,
      %add3A_159 = arith.constant 64 : i32
      %add3A_160 = arith.addi %mul3A_103, %add3A_159 : i32
      %get3A_161 = arith.constant 0 : i32
      %get3A_162 = arith.index_cast %get3A_161 : i32 to index
      %get3A_163 = arith.index_cast %add3A_160 : i32 to index
      %get3A_164 = tpu.vector_load %arg6[%get3A_162, %get3A_163] {strides = array<i32>} : memref<2x9984xi32, #tpu.memory_space<vmem>>, vector<16xi32>,
      %add3A_165 = arith.constant 64 : i32
      %add3A_166 = arith.addi %mul3A_103, %add3A_165 : i32
      %get3A_167 = arith.constant 1 : i32
      %get3A_168 = arith.index_cast %get3A_167 : i32 to index
      %get3A_169 = arith.index_cast %add3A_166 : i32 to index
      %get3A_170 = tpu.vector_load %arg6[%get3A_168, %get3A_169] {strides = array<i32>} : memref<2x9984xi32, #tpu.memory_space<vmem>>, vector<16xi32>,
      %gather3A_171 = tpu.vector_load_idx %arg5[%get3A_164] : memref<10000xi32, #tpu.memory_space<vmem>>[vector<16xi32>], vector<16xi32>,
      %gather3A_172 = tpu.vector_load_idx %arg5[%get3A_170] : memref<10000xi32, #tpu.memory_space<vmem>>[vector<16xi32>], vector<16xi32>,
      %add3A_173 = arith.constant 80 : i32
      %add3A_174 = arith.addi %mul3A_103, %add3A_173 : i32
      %get3A_175 = arith.constant 0 : i32
      %get3A_176 = arith.index_cast %get3A_175 : i32 to index
      %get3A_177 = arith.index_cast %add3A_174 : i32 to index
      %get3A_178 = tpu.vector_load %arg6[%get3A_176, %get3A_177] {strides = array<i32>} : memref<2x9984xi32, #tpu.memory_space<vmem>>, vector<16xi32>,
      %add3A_179 = arith.constant 80 : i32
      %add3A_180 = arith.addi %mul3A_103, %add3A_179 : i32
      %get3A_181 = arith.constant 1 : i32
      %get3A_182 = arith.index_cast %get3A_181 : i32 to index
      %get3A_183 = arith.index_cast %add3A_180 : i32 to index
      %get3A_184 = tpu.vector_load %arg6[%get3A_182, %get3A_183] {strides = array<i32>} : memref<2x9984xi32, #tpu.memory_space<vmem>>, vector<16xi32>,
      %gather3A_185 = tpu.vector_load_idx %arg5[%get3A_178] : memref<10000xi32, #tpu.memory_space<vmem>>[vector<16xi32>], vector<16xi32>,
      %gather3A_186 = tpu.vector_load_idx %arg5[%get3A_184] : memref<10000xi32, #tpu.memory_space<vmem>>[vector<16xi32>], vector<16xi32>,
      %add3A_187 = arith.constant 96 : i32
      %add3A_188 = arith.addi %mul3A_103, %add3A_187 : i32
      %get3A_189 = arith.constant 0 : i32
      %get3A_190 = arith.index_cast %get3A_189 : i32 to index
      %get3A_191 = arith.index_cast %add3A_188 : i32 to index
      %get3A_192 = tpu.vector_load %arg6[%get3A_190, %get3A_191] {strides = array<i32>} : memref<2x9984xi32, #tpu.memory_space<vmem>>, vector<16xi32>,
      %add3A_193 = arith.constant 96 : i32
      %add3A_194 = arith.addi %mul3A_103, %add3A_193 : i32
      %get3A_195 = arith.constant 1 : i32
      %get3A_196 = arith.index_cast %get3A_195 : i32 to index
      %get3A_197 = arith.index_cast %add3A_194 : i32 to index
      %get3A_198 = tpu.vector_load %arg6[%get3A_196, %get3A_197] {strides = array<i32>} : memref<2x9984xi32, #tpu.memory_space<vmem>>, vector<16xi32>,
      %gather3A_199 = tpu.vector_load_idx %arg5[%get3A_192] : memref<10000xi32, #tpu.memory_space<vmem>>[vector<16xi32>], vector<16xi32>,
      %gather3A_200 = tpu.vector_load_idx %arg5[%get3A_198] : memref<10000xi32, #tpu.memory_space<vmem>>[vector<16xi32>], vector<16xi32>,
      %add3A_201 = arith.constant 112 : i32
      %add3A_202 = arith.addi %mul3A_103, %add3A_201 : i32
      %get3A_203 = arith.constant 0 : i32
      %get3A_204 = arith.index_cast %get3A_203 : i32 to index
      %get3A_205 = arith.index_cast %add3A_202 : i32 to index
      %get3A_206 = tpu.vector_load %arg6[%get3A_204, %get3A_205] {strides = array<i32>} : memref<2x9984xi32, #tpu.memory_space<vmem>>, vector<16xi32>,
      %add3A_207 = arith.constant 112 : i32
      %add3A_208 = arith.addi %mul3A_103, %add3A_207 : i32
      %get3A_209 = arith.constant 1 : i32
      %get3A_210 = arith.index_cast %get3A_209 : i32 to index
      %get3A_211 = arith.index_cast %add3A_208 : i32 to index
      %get3A_212 = tpu.vector_load %arg6[%get3A_210, %get3A_211] {strides = array<i32>} : memref<2x9984xi32, #tpu.memory_space<vmem>>, vector<16xi32>,
      %gather3A_213 = tpu.vector_load_idx %arg5[%get3A_206] : memref<10000xi32, #tpu.memory_space<vmem>>[vector<16xi32>], vector<16xi32>,
      %gather3A_214 = tpu.vector_load_idx %arg5[%get3A_212] : memref<10000xi32, #tpu.memory_space<vmem>>[vector<16xi32>], vector<16xi32>,
      %eq3A = arith.cmpi eq, %gather3A, %gather3A_116 : vector<16xi32>
      tpu.vector_store_idx %arg8[%gather3A], %broadcast_in_dim3A_50 masked %eq3A {add = true} : memref<64xf32, #tpu.memory_space<vmem>>[vector<16xi32>], vector<16xf32>, vector<16xi1>
      %eq3A_215 = arith.cmpi eq, %gather3A_129, %gather3A_130 : vector<16xi32>
      tpu.vector_store_idx %arg9[%gather3A_129], %broadcast_in_dim3A_50 masked %eq3A_215 {add = true} : memref<64xf32, #tpu.memory_space<vmem>>[vector<16xi32>], vector<16xf32>, vector<16xi1>
      %eq3A_216 = arith.cmpi eq, %gather3A_143, %gather3A_144 : vector<16xi32>
      tpu.vector_store_idx %arg8[%gather3A_143], %broadcast_in_dim3A_50 masked %eq3A_216 {add = true} : memref<64xf32, #tpu.memory_space<vmem>>[vector<16xi32>], vector<16xf32>, vector<16xi1>
      %eq3A_217 = arith.cmpi eq, %gather3A_157, %gather3A_158 : vector<16xi32>
      tpu.vector_store_idx %arg9[%gather3A_157], %broadcast_in_dim3A_50 masked %eq3A_217 {add = true} : memref<64xf32, #tpu.memory_space<vmem>>[vector<16xi32>], vector<16xf32>, vector<16xi1>
      %eq3A_218 = arith.cmpi eq, %gather3A_171, %gather3A_172 : vector<16xi32>
      tpu.vector_store_idx %arg8[%gather3A_171], %broadcast_in_dim3A_50 masked %eq3A_218 {add = true} : memref<64xf32, #tpu.memory_space<vmem>>[vector<16xi32>], vector<16xf32>, vector<16xi1>
      %eq3A_219 = arith.cmpi eq, %gather3A_185, %gather3A_186 : vector<16xi32>
      tpu.vector_store_idx %arg9[%gather3A_185], %broadcast_in_dim3A_50 masked %eq3A_219 {add = true} : memref<64xf32, #tpu.memory_space<vmem>>[vector<16xi32>], vector<16xf32>, vector<16xi1>
      %eq3A_220 = arith.cmpi eq, %gather3A_199, %gather3A_200 : vector<16xi32>
      tpu.vector_store_idx %arg8[%gather3A_199], %broadcast_in_dim3A_50 masked %eq3A_220 {add = true} : memref<64xf32, #tpu.memory_space<vmem>>[vector<16xi32>], vector<16xf32>, vector<16xi1>
      %eq3A_221 = arith.cmpi eq, %gather3A_213, %gather3A_214 : vector<16xi32>
      tpu.vector_store_idx %arg9[%gather3A_213], %broadcast_in_dim3A_50 masked %eq3A_221 {add = true} : memref<64xf32, #tpu.memory_space<vmem>>[vector<16xi32>], vector<16xf32>, vector<16xi1>
    }
    %scan3A_71 = arith.constant 39 : i32
    %lt3A = arith.constant 4 : i32
    %lt3A_72 = arith.cmpi slt, %add3A, %lt3A : i32
    %convert_element_type3A = arith.extui %lt3A_72 : i1 to i32
    %cond3A = arith.constant 0 : i32
    %cond3A_73 = arith.cmpi ne, %convert_element_type3A, %cond3A : i32
    scf.if %cond3A_73 {
      %mul3A_101 = arith.constant 128 : i32
      %mul3A_102 = arith.muli %add3A, %mul3A_101 : i32
      %add3A_103 = arith.constant 319488 : i32
      %add3A_104 = arith.addi %add3A_103, %mul3A_102 : i32
      "tpu.region"() ({
        %run_scoped3A = tpu.sem_alloc : memref<!tpu.dma_semaphore, #tpu.memory_space<semaphore_mem>>
        %dma_start3A_228 = arith.constant 0 : i32
        %dma_start3A_229 = tpu.memref_slice %arg2[%dma_start3A_228, %add3A_104] : memref<2x320000xi32, #tpu.memory_space<hbm>> -> memref<2x128xi32, #tpu.memory_space<hbm>>
        %dma_start3A_230 = arith.constant 0 : i32
        %dma_start3A_231 = tpu.memref_slice %arg2[%dma_start3A_230, %add3A_104] : memref<2x320000xi32, #tpu.memory_space<hbm>> -> memref<2x128xi32, #tpu.memory_space<hbm>>
        tpu.enqueue_dma source(%dma_start3A_231 : memref<2x128xi32, #tpu.memory_space<hbm>>) target(%arg7 : memref<2x128xi32, #tpu.memory_space<vmem>>) target_semaphore(%run_scoped3A : memref<!tpu.dma_semaphore, #tpu.memory_space<semaphore_mem>>)
        %dma_wait3A_232 = arith.constant 0 : i32
        %dma_wait3A_233 = tpu.memref_slice %arg2[%dma_wait3A_232, %add3A_104] : memref<2x320000xi32, #tpu.memory_space<hbm>> -> memref<2x128xi32, #tpu.memory_space<hbm>>
        %dma_wait3A_234 = arith.constant 0 : i32
        %dma_wait3A_235 = tpu.memref_slice %arg2[%dma_wait3A_234, %add3A_104] : memref<2x320000xi32, #tpu.memory_space<hbm>> -> memref<2x128xi32, #tpu.memory_space<hbm>>
        tpu.wait_dma2 semaphore(%run_scoped3A : memref<!tpu.dma_semaphore, #tpu.memory_space<semaphore_mem>>) src(%dma_wait3A_235 : memref<2x128xi32, #tpu.memory_space<hbm>>) dst(%arg7 : memref<2x128xi32, #tpu.memory_space<vmem>>)
        tpu.yield
      }) : () -> ()
      %scan3A_105 = arith.constant 0 : i32
      %scan3A_106 = arith.constant 0 : i32
      %mul3A_107 = arith.constant 128 : i32
      %mul3A_108 = arith.muli %scan3A_106, %mul3A_107 : i32
      %add3A_109 = arith.constant 0 : i32
      %add3A_110 = arith.addi %mul3A_108, %add3A_109 : i32
      %get3A_111 = arith.constant 0 : i32
      %get3A_112 = arith.index_cast %get3A_111 : i32 to index
      %get3A_113 = arith.index_cast %add3A_110 : i32 to index
      %get3A_114 = tpu.vector_load %arg7[%get3A_112, %get3A_113] {strides = array<i32>} : memref<2x128xi32, #tpu.memory_space<vmem>>, vector<16xi32>,
      %add3A_115 = arith.constant 0 : i32
      %add3A_116 = arith.addi %mul3A_108, %add3A_115 : i32
      %get3A_117 = arith.constant 1 : i32
      %get3A_118 = arith.index_cast %get3A_117 : i32 to index
      %get3A_119 = arith.index_cast %add3A_116 : i32 to index
      %get3A_120 = tpu.vector_load %arg7[%get3A_118, %get3A_119] {strides = array<i32>} : memref<2x128xi32, #tpu.memory_space<vmem>>, vector<16xi32>,
      %gather3A = tpu.vector_load_idx %arg5[%get3A_114] : memref<10000xi32, #tpu.memory_space<vmem>>[vector<16xi32>], vector<16xi32>,
      %gather3A_121 = tpu.vector_load_idx %arg5[%get3A_120] : memref<10000xi32, #tpu.memory_space<vmem>>[vector<16xi32>], vector<16xi32>,
      %add3A_122 = arith.constant 16 : i32
      %add3A_123 = arith.addi %mul3A_108, %add3A_122 : i32
      %get3A_124 = arith.constant 0 : i32
      %get3A_125 = arith.index_cast %get3A_124 : i32 to index
      %get3A_126 = arith.index_cast %add3A_123 : i32 to index
      %get3A_127 = tpu.vector_load %arg7[%get3A_125, %get3A_126] {strides = array<i32>} : memref<2x128xi32, #tpu.memory_space<vmem>>, vector<16xi32>,
      %add3A_128 = arith.constant 16 : i32
      %add3A_129 = arith.addi %mul3A_108, %add3A_128 : i32
      %get3A_130 = arith.constant 1 : i32
      %get3A_131 = arith.index_cast %get3A_130 : i32 to index
      %get3A_132 = arith.index_cast %add3A_129 : i32 to index
      %get3A_133 = tpu.vector_load %arg7[%get3A_131, %get3A_132] {strides = array<i32>} : memref<2x128xi32, #tpu.memory_space<vmem>>, vector<16xi32>,
      %gather3A_134 = tpu.vector_load_idx %arg5[%get3A_127] : memref<10000xi32, #tpu.memory_space<vmem>>[vector<16xi32>], vector<16xi32>,
      %gather3A_135 = tpu.vector_load_idx %arg5[%get3A_133] : memref<10000xi32, #tpu.memory_space<vmem>>[vector<16xi32>], vector<16xi32>,
      %add3A_136 = arith.constant 32 : i32
      %add3A_137 = arith.addi %mul3A_108, %add3A_136 : i32
      %get3A_138 = arith.constant 0 : i32
      %get3A_139 = arith.index_cast %get3A_138 : i32 to index
      %get3A_140 = arith.index_cast %add3A_137 : i32 to index
      %get3A_141 = tpu.vector_load %arg7[%get3A_139, %get3A_140] {strides = array<i32>} : memref<2x128xi32, #tpu.memory_space<vmem>>, vector<16xi32>,
      %add3A_142 = arith.constant 32 : i32
      %add3A_143 = arith.addi %mul3A_108, %add3A_142 : i32
      %get3A_144 = arith.constant 1 : i32
      %get3A_145 = arith.index_cast %get3A_144 : i32 to index
      %get3A_146 = arith.index_cast %add3A_143 : i32 to index
      %get3A_147 = tpu.vector_load %arg7[%get3A_145, %get3A_146] {strides = array<i32>} : memref<2x128xi32, #tpu.memory_space<vmem>>, vector<16xi32>,
      %gather3A_148 = tpu.vector_load_idx %arg5[%get3A_141] : memref<10000xi32, #tpu.memory_space<vmem>>[vector<16xi32>], vector<16xi32>,
      %gather3A_149 = tpu.vector_load_idx %arg5[%get3A_147] : memref<10000xi32, #tpu.memory_space<vmem>>[vector<16xi32>], vector<16xi32>,
      %add3A_150 = arith.constant 48 : i32
      %add3A_151 = arith.addi %mul3A_108, %add3A_150 : i32
      %get3A_152 = arith.constant 0 : i32
      %get3A_153 = arith.index_cast %get3A_152 : i32 to index
      %get3A_154 = arith.index_cast %add3A_151 : i32 to index
      %get3A_155 = tpu.vector_load %arg7[%get3A_153, %get3A_154] {strides = array<i32>} : memref<2x128xi32, #tpu.memory_space<vmem>>, vector<16xi32>,
      %add3A_156 = arith.constant 48 : i32
      %add3A_157 = arith.addi %mul3A_108, %add3A_156 : i32
      %get3A_158 = arith.constant 1 : i32
      %get3A_159 = arith.index_cast %get3A_158 : i32 to index
      %get3A_160 = arith.index_cast %add3A_157 : i32 to index
      %get3A_161 = tpu.vector_load %arg7[%get3A_159, %get3A_160] {strides = array<i32>} : memref<2x128xi32, #tpu.memory_space<vmem>>, vector<16xi32>,
      %gather3A_162 = tpu.vector_load_idx %arg5[%get3A_155] : memref<10000xi32, #tpu.memory_space<vmem>>[vector<16xi32>], vector<16xi32>,
      %gather3A_163 = tpu.vector_load_idx %arg5[%get3A_161] : memref<10000xi32, #tpu.memory_space<vmem>>[vector<16xi32>], vector<16xi32>,
      %add3A_164 = arith.constant 64 : i32
      %add3A_165 = arith.addi %mul3A_108, %add3A_164 : i32
      %get3A_166 = arith.constant 0 : i32
      %get3A_167 = arith.index_cast %get3A_166 : i32 to index
      %get3A_168 = arith.index_cast %add3A_165 : i32 to index
      %get3A_169 = tpu.vector_load %arg7[%get3A_167, %get3A_168] {strides = array<i32>} : memref<2x128xi32, #tpu.memory_space<vmem>>, vector<16xi32>,
      %add3A_170 = arith.constant 64 : i32
      %add3A_171 = arith.addi %mul3A_108, %add3A_170 : i32
      %get3A_172 = arith.constant 1 : i32
      %get3A_173 = arith.index_cast %get3A_172 : i32 to index
      %get3A_174 = arith.index_cast %add3A_171 : i32 to index
      %get3A_175 = tpu.vector_load %arg7[%get3A_173, %get3A_174] {strides = array<i32>} : memref<2x128xi32, #tpu.memory_space<vmem>>, vector<16xi32>,
      %gather3A_176 = tpu.vector_load_idx %arg5[%get3A_169] : memref<10000xi32, #tpu.memory_space<vmem>>[vector<16xi32>], vector<16xi32>,
      %gather3A_177 = tpu.vector_load_idx %arg5[%get3A_175] : memref<10000xi32, #tpu.memory_space<vmem>>[vector<16xi32>], vector<16xi32>,
      %add3A_178 = arith.constant 80 : i32
      %add3A_179 = arith.addi %mul3A_108, %add3A_178 : i32
      %get3A_180 = arith.constant 0 : i32
      %get3A_181 = arith.index_cast %get3A_180 : i32 to index
      %get3A_182 = arith.index_cast %add3A_179 : i32 to index
      %get3A_183 = tpu.vector_load %arg7[%get3A_181, %get3A_182] {strides = array<i32>} : memref<2x128xi32, #tpu.memory_space<vmem>>, vector<16xi32>,
      %add3A_184 = arith.constant 80 : i32
      %add3A_185 = arith.addi %mul3A_108, %add3A_184 : i32
      %get3A_186 = arith.constant 1 : i32
      %get3A_187 = arith.index_cast %get3A_186 : i32 to index
      %get3A_188 = arith.index_cast %add3A_185 : i32 to index
      %get3A_189 = tpu.vector_load %arg7[%get3A_187, %get3A_188] {strides = array<i32>} : memref<2x128xi32, #tpu.memory_space<vmem>>, vector<16xi32>,
      %gather3A_190 = tpu.vector_load_idx %arg5[%get3A_183] : memref<10000xi32, #tpu.memory_space<vmem>>[vector<16xi32>], vector<16xi32>,
      %gather3A_191 = tpu.vector_load_idx %arg5[%get3A_189] : memref<10000xi32, #tpu.memory_space<vmem>>[vector<16xi32>], vector<16xi32>,
      %add3A_192 = arith.constant 96 : i32
      %add3A_193 = arith.addi %mul3A_108, %add3A_192 : i32
      %get3A_194 = arith.constant 0 : i32
      %get3A_195 = arith.index_cast %get3A_194 : i32 to index
      %get3A_196 = arith.index_cast %add3A_193 : i32 to index
      %get3A_197 = tpu.vector_load %arg7[%get3A_195, %get3A_196] {strides = array<i32>} : memref<2x128xi32, #tpu.memory_space<vmem>>, vector<16xi32>,
      %add3A_198 = arith.constant 96 : i32
      %add3A_199 = arith.addi %mul3A_108, %add3A_198 : i32
      %get3A_200 = arith.constant 1 : i32
      %get3A_201 = arith.index_cast %get3A_200 : i32 to index
      %get3A_202 = arith.index_cast %add3A_199 : i32 to index
      %get3A_203 = tpu.vector_load %arg7[%get3A_201, %get3A_202] {strides = array<i32>} : memref<2x128xi32, #tpu.memory_space<vmem>>, vector<16xi32>,
      %gather3A_204 = tpu.vector_load_idx %arg5[%get3A_197] : memref<10000xi32, #tpu.memory_space<vmem>>[vector<16xi32>], vector<16xi32>,
      %gather3A_205 = tpu.vector_load_idx %arg5[%get3A_203] : memref<10000xi32, #tpu.memory_space<vmem>>[vector<16xi32>], vector<16xi32>,
      %add3A_206 = arith.constant 112 : i32
      %add3A_207 = arith.addi %mul3A_108, %add3A_206 : i32
      %get3A_208 = arith.constant 0 : i32
      %get3A_209 = arith.index_cast %get3A_208 : i32 to index
      %get3A_210 = arith.index_cast %add3A_207 : i32 to index
      %get3A_211 = tpu.vector_load %arg7[%get3A_209, %get3A_210] {strides = array<i32>} : memref<2x128xi32, #tpu.memory_space<vmem>>, vector<16xi32>,
      %add3A_212 = arith.constant 112 : i32
      %add3A_213 = arith.addi %mul3A_108, %add3A_212 : i32
      %get3A_214 = arith.constant 1 : i32
      %get3A_215 = arith.index_cast %get3A_214 : i32 to index
      %get3A_216 = arith.index_cast %add3A_213 : i32 to index
      %get3A_217 = tpu.vector_load %arg7[%get3A_215, %get3A_216] {strides = array<i32>} : memref<2x128xi32, #tpu.memory_space<vmem>>, vector<16xi32>,
      %gather3A_218 = tpu.vector_load_idx %arg5[%get3A_211] : memref<10000xi32, #tpu.memory_space<vmem>>[vector<16xi32>], vector<16xi32>,
      %gather3A_219 = tpu.vector_load_idx %arg5[%get3A_217] : memref<10000xi32, #tpu.memory_space<vmem>>[vector<16xi32>], vector<16xi32>,
      %eq3A = arith.cmpi eq, %gather3A, %gather3A_121 : vector<16xi32>
      tpu.vector_store_idx %arg8[%gather3A], %broadcast_in_dim3A_50 masked %eq3A {add = true} : memref<64xf32, #tpu.memory_space<vmem>>[vector<16xi32>], vector<16xf32>, vector<16xi1>
      %eq3A_220 = arith.cmpi eq, %gather3A_134, %gather3A_135 : vector<16xi32>
      tpu.vector_store_idx %arg9[%gather3A_134], %broadcast_in_dim3A_50 masked %eq3A_220 {add = true} : memref<64xf32, #tpu.memory_space<vmem>>[vector<16xi32>], vector<16xf32>, vector<16xi1>
      %eq3A_221 = arith.cmpi eq, %gather3A_148, %gather3A_149 : vector<16xi32>
      tpu.vector_store_idx %arg8[%gather3A_148], %broadcast_in_dim3A_50 masked %eq3A_221 {add = true} : memref<64xf32, #tpu.memory_space<vmem>>[vector<16xi32>], vector<16xf32>, vector<16xi1>
      %eq3A_222 = arith.cmpi eq, %gather3A_162, %gather3A_163 : vector<16xi32>
      tpu.vector_store_idx %arg9[%gather3A_162], %broadcast_in_dim3A_50 masked %eq3A_222 {add = true} : memref<64xf32, #tpu.memory_space<vmem>>[vector<16xi32>], vector<16xf32>, vector<16xi1>
      %eq3A_223 = arith.cmpi eq, %gather3A_176, %gather3A_177 : vector<16xi32>
      tpu.vector_store_idx %arg8[%gather3A_176], %broadcast_in_dim3A_50 masked %eq3A_223 {add = true} : memref<64xf32, #tpu.memory_space<vmem>>[vector<16xi32>], vector<16xf32>, vector<16xi1>
      %eq3A_224 = arith.cmpi eq, %gather3A_190, %gather3A_191 : vector<16xi32>
      tpu.vector_store_idx %arg9[%gather3A_190], %broadcast_in_dim3A_50 masked %eq3A_224 {add = true} : memref<64xf32, #tpu.memory_space<vmem>>[vector<16xi32>], vector<16xf32>, vector<16xi1>
      %eq3A_225 = arith.cmpi eq, %gather3A_204, %gather3A_205 : vector<16xi32>
      tpu.vector_store_idx %arg8[%gather3A_204], %broadcast_in_dim3A_50 masked %eq3A_225 {add = true} : memref<64xf32, #tpu.memory_space<vmem>>[vector<16xi32>], vector<16xf32>, vector<16xi1>
      %eq3A_226 = arith.cmpi eq, %gather3A_218, %gather3A_219 : vector<16xi32>
      tpu.vector_store_idx %arg9[%gather3A_218], %broadcast_in_dim3A_50 masked %eq3A_226 {add = true} : memref<64xf32, #tpu.memory_space<vmem>>[vector<16xi32>], vector<16xf32>, vector<16xi1>
      %scan3A_227 = arith.constant 1 : i32
    } else {
    }
    %get3A = arith.constant 0 : index
    %get3A_74 = tpu.vector_load %arg8[%get3A] {strides = array<i32>} : memref<64xf32, #tpu.memory_space<vmem>>, vector<16xf32>,
    %get3A_75 = arith.constant 0 : index
    %get3A_76 = tpu.vector_load %arg9[%get3A_75] {strides = array<i32>} : memref<64xf32, #tpu.memory_space<vmem>>, vector<16xf32>,
    %add3A_77 = arith.addf %get3A_74, %get3A_76 : vector<16xf32>
    %swap3A_78 = arith.constant 0 : index
    %swap3A_79 = tpu.vector_load %arg8[%swap3A_78] {strides = array<i32>} : memref<64xf32, #tpu.memory_space<vmem>>, vector<16xf32>,
    tpu.vector_store %arg8[%swap3A_78], %add3A_77 {strides = array<i32>} : memref<64xf32, #tpu.memory_space<vmem>>, vector<16xf32>,
    %get3A_80 = arith.constant 16 : index
    %get3A_81 = tpu.vector_load %arg8[%get3A_80] {strides = array<i32>} : memref<64xf32, #tpu.memory_space<vmem>>, vector<16xf32>,
    %get3A_82 = arith.constant 16 : index
    %get3A_83 = tpu.vector_load %arg9[%get3A_82] {strides = array<i32>} : memref<64xf32, #tpu.memory_space<vmem>>, vector<16xf32>,
    %add3A_84 = arith.addf %get3A_81, %get3A_83 : vector<16xf32>
    %swap3A_85 = arith.constant 16 : index
    %swap3A_86 = tpu.vector_load %arg8[%swap3A_85] {strides = array<i32>} : memref<64xf32, #tpu.memory_space<vmem>>, vector<16xf32>,
    tpu.vector_store %arg8[%swap3A_85], %add3A_84 {strides = array<i32>} : memref<64xf32, #tpu.memory_space<vmem>>, vector<16xf32>,
    %get3A_87 = arith.constant 32 : index
    %get3A_88 = tpu.vector_load %arg8[%get3A_87] {strides = array<i32>} : memref<64xf32, #tpu.memory_space<vmem>>, vector<16xf32>,
    %get3A_89 = arith.constant 32 : index
    %get3A_90 = tpu.vector_load %arg9[%get3A_89] {strides = array<i32>} : memref<64xf32, #tpu.memory_space<vmem>>, vector<16xf32>,
    %add3A_91 = arith.addf %get3A_88, %get3A_90 : vector<16xf32>
    %swap3A_92 = arith.constant 32 : index
    %swap3A_93 = tpu.vector_load %arg8[%swap3A_92] {strides = array<i32>} : memref<64xf32, #tpu.memory_space<vmem>>, vector<16xf32>,
    tpu.vector_store %arg8[%swap3A_92], %add3A_91 {strides = array<i32>} : memref<64xf32, #tpu.memory_space<vmem>>, vector<16xf32>,
    %get3A_94 = arith.constant 48 : index
    %get3A_95 = tpu.vector_load %arg8[%get3A_94] {strides = array<i32>} : memref<64xf32, #tpu.memory_space<vmem>>, vector<16xf32>,
    %get3A_96 = arith.constant 48 : index
    %get3A_97 = tpu.vector_load %arg9[%get3A_96] {strides = array<i32>} : memref<64xf32, #tpu.memory_space<vmem>>, vector<16xf32>,
    %add3A_98 = arith.addf %get3A_95, %get3A_97 : vector<16xf32>
    %swap3A_99 = arith.constant 48 : index
    %swap3A_100 = tpu.vector_load %arg8[%swap3A_99] {strides = array<i32>} : memref<64xf32, #tpu.memory_space<vmem>>, vector<16xf32>,
    tpu.vector_store %arg8[%swap3A_99], %add3A_98 {strides = array<i32>} : memref<64xf32, #tpu.memory_space<vmem>>, vector<16xf32>,
    "tpu.region"() ({
      %run_scoped3A = tpu.sem_alloc : memref<!tpu.dma_semaphore, #tpu.memory_space<semaphore_mem>>
      %dma_start3A_101 = arith.constant 0 : i32
      %dma_start3A_102 = tpu.memref_slice %arg4[%add3A, %dma_start3A_101] : memref<32x64xf32, #tpu.memory_space<hbm>> -> memref<1x64xf32, #tpu.memory_space<hbm>>
      %dma_start3A_103 = tpu.memref_squeeze %dma_start3A_102 : memref<1x64xf32, #tpu.memory_space<hbm>> -> memref<64xf32, #tpu.memory_space<hbm>>
      %dma_start3A_104 = arith.constant 0 : i32
      %dma_start3A_105 = tpu.memref_slice %arg4[%add3A, %dma_start3A_104] : memref<32x64xf32, #tpu.memory_space<hbm>> -> memref<1x64xf32, #tpu.memory_space<hbm>>
      %dma_start3A_106 = tpu.memref_squeeze %dma_start3A_105 : memref<1x64xf32, #tpu.memory_space<hbm>> -> memref<64xf32, #tpu.memory_space<hbm>>
      tpu.enqueue_dma source(%arg8 : memref<64xf32, #tpu.memory_space<vmem>>) target(%dma_start3A_106 : memref<64xf32, #tpu.memory_space<hbm>>) target_semaphore(%run_scoped3A : memref<!tpu.dma_semaphore, #tpu.memory_space<semaphore_mem>>)
      %dma_wait3A_107 = arith.constant 0 : i32
      %dma_wait3A_108 = tpu.memref_slice %arg4[%add3A, %dma_wait3A_107] : memref<32x64xf32, #tpu.memory_space<hbm>> -> memref<1x64xf32, #tpu.memory_space<hbm>>
      %dma_wait3A_109 = tpu.memref_squeeze %dma_wait3A_108 : memref<1x64xf32, #tpu.memory_space<hbm>> -> memref<64xf32, #tpu.memory_space<hbm>>
      %dma_wait3A_110 = arith.constant 0 : i32
      %dma_wait3A_111 = tpu.memref_slice %arg4[%add3A, %dma_wait3A_110] : memref<32x64xf32, #tpu.memory_space<hbm>> -> memref<1x64xf32, #tpu.memory_space<hbm>>
      %dma_wait3A_112 = tpu.memref_squeeze %dma_wait3A_111 : memref<1x64xf32, #tpu.memory_space<hbm>> -> memref<64xf32, #tpu.memory_space<hbm>>
      tpu.wait_dma2 semaphore(%run_scoped3A : memref<!tpu.dma_semaphore, #tpu.memory_space<semaphore_mem>>) src(%arg8 : memref<64xf32, #tpu.memory_space<vmem>>) dst(%dma_wait3A_112 : memref<64xf32, #tpu.memory_space<hbm>>)
      tpu.yield
    }) : () -> ()
    return
  }
}

module attributes {stable_mosaic.version = 14 : i64} {
  func.func @_gate_fuse_body(%arg0: i32, %arg1: memref<32x64xf32, #tpu.memory_space<vmem>>, %arg2: memref<64x256xf32, #tpu.memory_space<vmem>>, %arg3: memref<64x1xf32, #tpu.memory_space<vmem>>, %arg4: memref<1x1x5000xi32, #tpu.memory_space<vmem>>, %arg5: memref<5000x128xf32, #tpu.memory_space<vmem>>, %arg6: memref<5000x128xf32, #tpu.memory_space<vmem>>, %arg7: memref<260x128xf32, #tpu.memory_space<vmem>>, %arg8: memref<128xf32, #tpu.memory_space<vmem>>, %arg9: memref<128xf32, #tpu.memory_space<vmem>>, %arg10: memref<128xf32, #tpu.memory_space<vmem>>, %arg11: memref<128x64xf32, #tpu.memory_space<vmem>>, %arg12: memref<64xf32, #tpu.memory_space<vmem>>, %arg13: memref<64x2xf32, #tpu.memory_space<vmem>>, %arg14: memref<2xf32, #tpu.memory_space<vmem>>, %arg15: memref<5000x128xf32, #tpu.memory_space<vmem>>, %arg16: memref<64xf32, #tpu.memory_space<vmem>>, %arg17: memref<64xf32, #tpu.memory_space<vmem>>, %arg18: memref<64x4xf32, #tpu.memory_space<vmem>>, %arg19: memref<64x1xf32, #tpu.memory_space<vmem>>, %arg20: memref<64x1xf32, #tpu.memory_space<vmem>>) attributes {dimension_semantics = [#tpu.dimension_semantics<arbitrary>], iteration_bounds = array<i64: 2>, scalar_prefetch = 0 : i64, scratch_operands = 2 : i64, tpu.core_type = #tpu.core_type<tc>, window_params = [{pipeline_mode = #tpu.pipeline_mode<synchronous>, transform_indices = @transform_0, window_bounds = array<i64: 32, 64>}, {pipeline_mode = #tpu.pipeline_mode<synchronous>, transform_indices = @transform_1, window_bounds = array<i64: 64, 256>}, {pipeline_mode = #tpu.pipeline_mode<synchronous>, transform_indices = @transform_2, window_bounds = array<i64: 64, 1>}, {transform_indices = @transform_3, window_bounds = array<i64: 1, 1, 5000>}, {transform_indices = @transform_4, window_bounds = array<i64: 5000, 128>}, {transform_indices = @transform_5, window_bounds = array<i64: 5000, 128>}, {pipeline_mode = #tpu.pipeline_mode<synchronous>, transform_indices = @transform_6, window_bounds = array<i64: 260, 128>}, {pipeline_mode = #tpu.pipeline_mode<synchronous>, transform_indices = @transform_7, window_bounds = array<i64: 128>}, {pipeline_mode = #tpu.pipeline_mode<synchronous>, transform_indices = @transform_8, window_bounds = array<i64: 128>}, {pipeline_mode = #tpu.pipeline_mode<synchronous>, transform_indices = @transform_9, window_bounds = array<i64: 128>}, {pipeline_mode = #tpu.pipeline_mode<synchronous>, transform_indices = @transform_10, window_bounds = array<i64: 128, 64>}, {pipeline_mode = #tpu.pipeline_mode<synchronous>, transform_indices = @transform_11, window_bounds = array<i64: 64>}, {pipeline_mode = #tpu.pipeline_mode<synchronous>, transform_indices = @transform_12, window_bounds = array<i64: 64, 2>}, {pipeline_mode = #tpu.pipeline_mode<synchronous>, transform_indices = @transform_13, window_bounds = array<i64: 2>}, {transform_indices = @transform_14, window_bounds = array<i64: 5000, 128>}, {pipeline_mode = #tpu.pipeline_mode<synchronous>, transform_indices = @transform_15, window_bounds = array<i64: 64>}, {pipeline_mode = #tpu.pipeline_mode<synchronous>, transform_indices = @transform_16, window_bounds = array<i64: 64>}, {pipeline_mode = #tpu.pipeline_mode<synchronous>, transform_indices = @transform_17, window_bounds = array<i64: 64, 4>}]} {
    %eq3A = arith.constant 0 : i32
    %eq3A_0 = arith.cmpi eq, %arg0, %eq3A : i32
    %convert_element_type3A = arith.extui %eq3A_0 : i1 to i32
    %cond3A = arith.constant 0 : i32
    %cond3A_1 = arith.cmpi ne, %convert_element_type3A, %cond3A : i32
    scf.if %cond3A_1 {
      %get3A_30 = arith.constant 0 : index
      %get3A_31 = arith.constant 0 : index
      %get3A_32 = vector.load %arg3[%get3A_30, %get3A_31] : memref<64x1xf32, #tpu.memory_space<vmem>>, vector<64x1xf32>
      %get3A_33 = arith.constant 0 : index
      %get3A_34 = arith.constant 0 : index
      %get3A_35 = vector.load %arg2[%get3A_33, %get3A_34] : memref<64x256xf32, #tpu.memory_space<vmem>>, vector<64x128xf32>
      %div3A = vector.broadcast %get3A_32 : vector<64x1xf32> to vector<64x128xf32>
      %div3A_36 = arith.divf %get3A_35, %div3A : vector<64x128xf32>
      %get3A_37 = arith.constant 0 : index
      %get3A_38 = arith.constant 128 : index
      %get3A_39 = vector.load %arg2[%get3A_37, %get3A_38] : memref<64x256xf32, #tpu.memory_space<vmem>>, vector<64x128xf32>
      %div3A_40 = vector.broadcast %get3A_32 : vector<64x1xf32> to vector<64x128xf32>
      %div3A_41 = arith.divf %get3A_39, %div3A_40 : vector<64x128xf32>
      %get3A_42 = arith.constant 0 : index
      %get3A_43 = arith.constant 0 : index
      %get3A_44 = vector.load %arg1[%get3A_42, %get3A_43] : memref<32x64xf32, #tpu.memory_space<vmem>>, vector<32x64xf32>
      %broadcast_in_dim3A = arith.constant 1.000000e+00 : f32
      %broadcast_in_dim3A_45 = vector.broadcast %broadcast_in_dim3A : f32 to vector<32x1xf32>
      %dot_general3A_46 = arith.constant dense<0.000000e+00> : vector<64x1xf32>
      %dot_general3A_47 = tpu.matmul %get3A_44, %broadcast_in_dim3A_45, %dot_general3A_46 {dimension_numbers = #tpu.dot_dimension_numbers<[0], [0], [1], [1], [0, 1, 1, 1], [], []>, transpose_lhs_hint = false} : vector<32x64xf32>, vector<32x1xf32>, vector<64x1xf32> -> vector<64x1xf32>
      %add3A_48 = arith.constant 1.000000e+00 : f32
      %add3A_49 = vector.broadcast %add3A_48 : f32 to vector<64x1xf32>
      %add3A_50 = arith.addf %get3A_32, %add3A_49 : vector<64x1xf32>
      %log3A = math.log %add3A_50 : vector<64x1xf32>
      %mul3A_51 = arith.constant 0.160859481 : f32
      %mul3A_52 = vector.broadcast %mul3A_51 : f32 to vector<64x1xf32>
      %mul3A_53 = arith.mulf %log3A, %mul3A_52 : vector<64x1xf32>
      %sub3A = arith.constant 1.000000e+00 : f32
      %sub3A_54 = vector.broadcast %sub3A : f32 to vector<64x1xf32>
      %sub3A_55 = arith.subf %get3A_32, %sub3A_54 : vector<64x1xf32>
      %mul3A_56 = arith.mulf %get3A_32, %sub3A_55 : vector<64x1xf32>
      %add3A_57 = arith.constant 9.99999993E-9 : f32
      %add3A_58 = vector.broadcast %add3A_57 : f32 to vector<64x1xf32>
      %add3A_59 = arith.addf %mul3A_56, %add3A_58 : vector<64x1xf32>
      %div3A_60 = arith.divf %dot_general3A_47, %add3A_59 : vector<64x1xf32>
      %add3A_61 = arith.constant 9.99999993E-9 : f32
      %add3A_62 = vector.broadcast %add3A_61 : f32 to vector<64x1xf32>
      %add3A_63 = arith.addf %get3A_32, %add3A_62 : vector<64x1xf32>
      %div3A_64 = arith.divf %dot_general3A_47, %add3A_63 : vector<64x1xf32>
      %div3A_65 = arith.constant 1.000000e+01 : f32
      %div3A_66 = vector.broadcast %div3A_65 : f32 to vector<64x1xf32>
      %div3A_67 = arith.divf %div3A_64, %div3A_66 : vector<64x1xf32>
      %min3A = arith.constant 1.000000e+00 : f32
      %min3A_68 = vector.broadcast %min3A : f32 to vector<64x1xf32>
      %min3A_69 = arith.minimumf %div3A_67, %min3A_68 : vector<64x1xf32>
      %mul3A_70 = arith.mulf %div3A_36, %div3A_41 : vector<64x128xf32>
      %reduce_sum3A = arith.constant dense<0.000000e+00> : vector<64xf32>
      %reduce_sum3A_71 = vector.multi_reduction <add>, %mul3A_70, %reduce_sum3A [1] : vector<64x128xf32> to vector<64xf32>
      %broadcast_in_dim3A_72 = vector.shape_cast %reduce_sum3A_71 : vector<64xf32> to vector<64x1xf32>
      %mul3A_73 = arith.mulf %div3A_36, %div3A_36 : vector<64x128xf32>
      %reduce_sum3A_74 = arith.constant dense<0.000000e+00> : vector<64xf32>
      %reduce_sum3A_75 = vector.multi_reduction <add>, %mul3A_73, %reduce_sum3A_74 [1] : vector<64x128xf32> to vector<64xf32>
      %broadcast_in_dim3A_76 = vector.shape_cast %reduce_sum3A_75 : vector<64xf32> to vector<64x1xf32>
      %sqrt3A = math.sqrt %broadcast_in_dim3A_76 : vector<64x1xf32>
      %mul3A_77 = arith.mulf %div3A_41, %div3A_41 : vector<64x128xf32>
      %reduce_sum3A_78 = arith.constant dense<0.000000e+00> : vector<64xf32>
      %reduce_sum3A_79 = vector.multi_reduction <add>, %mul3A_77, %reduce_sum3A_78 [1] : vector<64x128xf32> to vector<64xf32>
      %broadcast_in_dim3A_80 = vector.shape_cast %reduce_sum3A_79 : vector<64xf32> to vector<64x1xf32>
      %sqrt3A_81 = math.sqrt %broadcast_in_dim3A_80 : vector<64x1xf32>
      %max3A = arith.constant 9.99999993E-9 : f32
      %max3A_82 = vector.broadcast %max3A : f32 to vector<64x1xf32>
      %max3A_83 = arith.maximumf %sqrt3A, %max3A_82 : vector<64x1xf32>
      %max3A_84 = arith.constant 9.99999993E-9 : f32
      %max3A_85 = vector.broadcast %max3A_84 : f32 to vector<64x1xf32>
      %max3A_86 = arith.maximumf %sqrt3A_81, %max3A_85 : vector<64x1xf32>
      %mul3A_87 = arith.mulf %max3A_83, %max3A_86 : vector<64x1xf32>
      %div3A_88 = arith.divf %broadcast_in_dim3A_72, %mul3A_87 : vector<64x1xf32>
      %sub3A_89 = arith.constant 1.000000e+00 : f32
      %sub3A_90 = vector.broadcast %sub3A_89 : f32 to vector<64x1xf32>
      %sub3A_91 = arith.subf %sub3A_90, %div3A_88 : vector<64x1xf32>
      %mul3A_92 = arith.constant 5.000000e-01 : f32
      %mul3A_93 = vector.broadcast %mul3A_92 : f32 to vector<64x1xf32>
      %mul3A_94 = arith.mulf %sub3A_91, %mul3A_93 : vector<64x1xf32>
      %iota3A_95 = tpu.iota {dimensions = array<i32: 1>} : vector<64x4xi32>
      %eq3A_96 = arith.constant 0 : i32
      %eq3A_97 = vector.broadcast %eq3A_96 : i32 to vector<64x4xi32>
      %eq3A_98 = arith.cmpi eq, %iota3A_95, %eq3A_97 : vector<64x4xi32>
      %jit3A = arith.constant 0.000000e+00 : f32
      %broadcast_in_dim3A_99 = vector.shape_cast %mul3A_53 : vector<64x1xf32> to vector<64x1xf32>
      %broadcast_in_dim3A_100 = vector.broadcast %broadcast_in_dim3A_99 : vector<64x1xf32> to vector<64x4xf32>
      %broadcast_in_dim3A_101 = vector.broadcast %jit3A : f32 to vector<64x4xf32>
      %select_n3A = arith.select %eq3A_98, %broadcast_in_dim3A_100, %broadcast_in_dim3A_101 : vector<64x4xi1>, vector<64x4xf32>
      %eq3A_102 = arith.constant 1 : i32
      %eq3A_103 = vector.broadcast %eq3A_102 : i32 to vector<64x4xi32>
      %eq3A_104 = arith.cmpi eq, %iota3A_95, %eq3A_103 : vector<64x4xi32>
      %jit3A_105 = arith.constant 0.000000e+00 : f32
      %broadcast_in_dim3A_106 = vector.shape_cast %div3A_60 : vector<64x1xf32> to vector<64x1xf32>
      %broadcast_in_dim3A_107 = vector.broadcast %broadcast_in_dim3A_106 : vector<64x1xf32> to vector<64x4xf32>
      %broadcast_in_dim3A_108 = vector.broadcast %jit3A_105 : f32 to vector<64x4xf32>
      %select_n3A_109 = arith.select %eq3A_104, %broadcast_in_dim3A_107, %broadcast_in_dim3A_108 : vector<64x4xi1>, vector<64x4xf32>
      %add3A_110 = arith.addf %select_n3A, %select_n3A_109 : vector<64x4xf32>
      %eq3A_111 = arith.constant 2 : i32
      %eq3A_112 = vector.broadcast %eq3A_111 : i32 to vector<64x4xi32>
      %eq3A_113 = arith.cmpi eq, %iota3A_95, %eq3A_112 : vector<64x4xi32>
      %jit3A_114 = arith.constant 0.000000e+00 : f32
      %broadcast_in_dim3A_115 = vector.shape_cast %min3A_69 : vector<64x1xf32> to vector<64x1xf32>
      %broadcast_in_dim3A_116 = vector.broadcast %broadcast_in_dim3A_115 : vector<64x1xf32> to vector<64x4xf32>
      %broadcast_in_dim3A_117 = vector.broadcast %jit3A_114 : f32 to vector<64x4xf32>
      %select_n3A_118 = arith.select %eq3A_113, %broadcast_in_dim3A_116, %broadcast_in_dim3A_117 : vector<64x4xi1>, vector<64x4xf32>
      %add3A_119 = arith.addf %add3A_110, %select_n3A_118 : vector<64x4xf32>
      %eq3A_120 = arith.constant 3 : i32
      %eq3A_121 = vector.broadcast %eq3A_120 : i32 to vector<64x4xi32>
      %eq3A_122 = arith.cmpi eq, %iota3A_95, %eq3A_121 : vector<64x4xi32>
      %jit3A_123 = arith.constant 0.000000e+00 : f32
      %broadcast_in_dim3A_124 = vector.shape_cast %mul3A_94 : vector<64x1xf32> to vector<64x1xf32>
      %broadcast_in_dim3A_125 = vector.broadcast %broadcast_in_dim3A_124 : vector<64x1xf32> to vector<64x4xf32>
      %broadcast_in_dim3A_126 = vector.broadcast %jit3A_123 : f32 to vector<64x4xf32>
      %select_n3A_127 = arith.select %eq3A_122, %broadcast_in_dim3A_125, %broadcast_in_dim3A_126 : vector<64x4xi1>, vector<64x4xf32>
      %add3A_128 = arith.addf %add3A_119, %select_n3A_127 : vector<64x4xf32>
      %swap3A_129 = arith.constant 0 : index
      %swap3A_130 = arith.constant 0 : index
      %swap3A_131 = vector.load %arg18[%swap3A_129, %swap3A_130] : memref<64x4xf32, #tpu.memory_space<vmem>>, vector<64x4xf32>
      tpu.vector_store %arg18[%swap3A_129, %swap3A_130], %add3A_128 {strides = array<i32>} : memref<64x4xf32, #tpu.memory_space<vmem>>, vector<64x4xf32>,
      %get3A_132 = arith.constant 0 : index
      %get3A_133 = arith.constant 0 : index
      %get3A_134 = vector.load %arg7[%get3A_132, %get3A_133] : memref<260x128xf32, #tpu.memory_space<vmem>>, vector<128x128xf32>
      %dot_general3A_135 = arith.constant dense<0.000000e+00> : vector<64x128xf32>
      %dot_general3A_136 = tpu.matmul %div3A_36, %get3A_134, %dot_general3A_135 {dimension_numbers = #tpu.dot_dimension_numbers<[1], [0], [0], [1], [0, 0, 1, 1], [], []>, transpose_lhs_hint = false} : vector<64x128xf32>, vector<128x128xf32>, vector<64x128xf32> -> vector<64x128xf32>
      %get3A_137 = arith.constant 128 : index
      %get3A_138 = arith.constant 0 : index
      %get3A_139 = vector.load %arg7[%get3A_137, %get3A_138] : memref<260x128xf32, #tpu.memory_space<vmem>>, vector<128x128xf32>
      %dot_general3A_140 = arith.constant dense<0.000000e+00> : vector<64x128xf32>
      %dot_general3A_141 = tpu.matmul %div3A_41, %get3A_139, %dot_general3A_140 {dimension_numbers = #tpu.dot_dimension_numbers<[1], [0], [0], [1], [0, 0, 1, 1], [], []>, transpose_lhs_hint = false} : vector<64x128xf32>, vector<128x128xf32>, vector<64x128xf32> -> vector<64x128xf32>
      %add3A_142 = arith.addf %dot_general3A_136, %dot_general3A_141 : vector<64x128xf32>
      %get3A_143 = arith.constant 256 : index
      %get3A_144 = arith.constant 0 : index
      %get3A_145 = vector.load %arg7[%get3A_143, %get3A_144] : memref<260x128xf32, #tpu.memory_space<vmem>>, vector<4x128xf32>
      %dot_general3A_146 = arith.constant dense<0.000000e+00> : vector<64x128xf32>
      %dot_general3A_147 = tpu.matmul %add3A_128, %get3A_145, %dot_general3A_146 {dimension_numbers = #tpu.dot_dimension_numbers<[1], [0], [0], [1], [0, 0, 1, 1], [], []>, transpose_lhs_hint = false} : vector<64x4xf32>, vector<4x128xf32>, vector<64x128xf32> -> vector<64x128xf32>
      %add3A_148 = arith.addf %add3A_142, %dot_general3A_147 : vector<64x128xf32>
      %get3A_149 = arith.constant 0 : index
      %get3A_150 = vector.load %arg8[%get3A_149] : memref<128xf32, #tpu.memory_space<vmem>>, vector<128xf32>
      %reshape3A_151 = vector.shape_cast %get3A_150 : vector<128xf32> to vector<1x128xf32>
      %add3A_152 = vector.broadcast %reshape3A_151 : vector<1x128xf32> to vector<64x128xf32>
      %add3A_153 = arith.addf %add3A_148, %add3A_152 : vector<64x128xf32>
      %reduce_sum3A_154 = arith.constant dense<0.000000e+00> : vector<64xf32>
      %reduce_sum3A_155 = vector.multi_reduction <add>, %add3A_153, %reduce_sum3A_154 [1] : vector<64x128xf32> to vector<64xf32>
      %broadcast_in_dim3A_156 = vector.shape_cast %reduce_sum3A_155 : vector<64xf32> to vector<64x1xf32>
      %div3A_157 = arith.constant 1.280000e+02 : f32
      %div3A_158 = vector.broadcast %div3A_157 : f32 to vector<64x1xf32>
      %div3A_159 = arith.divf %broadcast_in_dim3A_156, %div3A_158 : vector<64x1xf32>
      %sub3A_160 = vector.broadcast %div3A_159 : vector<64x1xf32> to vector<64x128xf32>
      %sub3A_161 = arith.subf %add3A_153, %sub3A_160 : vector<64x128xf32>
      %integer_pow3A = arith.mulf %sub3A_161, %sub3A_161 : vector<64x128xf32>
      %reduce_sum3A_162 = arith.constant dense<0.000000e+00> : vector<64xf32>
      %reduce_sum3A_163 = vector.multi_reduction <add>, %integer_pow3A, %reduce_sum3A_162 [1] : vector<64x128xf32> to vector<64xf32>
      %broadcast_in_dim3A_164 = vector.shape_cast %reduce_sum3A_163 : vector<64xf32> to vector<64x1xf32>
      %div3A_165 = arith.constant 1.280000e+02 : f32
      %div3A_166 = vector.broadcast %div3A_165 : f32 to vector<64x1xf32>
      %div3A_167 = arith.divf %broadcast_in_dim3A_164, %div3A_166 : vector<64x1xf32>
      %sub3A_168 = vector.broadcast %div3A_159 : vector<64x1xf32> to vector<64x128xf32>
      %sub3A_169 = arith.subf %add3A_153, %sub3A_168 : vector<64x128xf32>
      %add3A_170 = arith.constant 9.99999974E-6 : f32
      %add3A_171 = vector.broadcast %add3A_170 : f32 to vector<64x1xf32>
      %add3A_172 = arith.addf %div3A_167, %add3A_171 : vector<64x1xf32>
      %rsqrt3A = math.rsqrt %add3A_172 : vector<64x1xf32>
      %mul3A_173 = vector.broadcast %rsqrt3A : vector<64x1xf32> to vector<64x128xf32>
      %mul3A_174 = arith.mulf %sub3A_169, %mul3A_173 : vector<64x128xf32>
      %get3A_175 = arith.constant 0 : index
      %get3A_176 = vector.load %arg9[%get3A_175] : memref<128xf32, #tpu.memory_space<vmem>>, vector<128xf32>
      %reshape3A_177 = vector.shape_cast %get3A_176 : vector<128xf32> to vector<1x128xf32>
      %mul3A_178 = vector.broadcast %reshape3A_177 : vector<1x128xf32> to vector<64x128xf32>
      %mul3A_179 = arith.mulf %mul3A_174, %mul3A_178 : vector<64x128xf32>
      %get3A_180 = arith.constant 0 : index
      %get3A_181 = vector.load %arg10[%get3A_180] : memref<128xf32, #tpu.memory_space<vmem>>, vector<128xf32>
      %reshape3A_182 = vector.shape_cast %get3A_181 : vector<128xf32> to vector<1x128xf32>
      %add3A_183 = vector.broadcast %reshape3A_182 : vector<1x128xf32> to vector<64x128xf32>
      %add3A_184 = arith.addf %mul3A_179, %add3A_183 : vector<64x128xf32>
      %max3A_185 = arith.constant 0.000000e+00 : f32
      %max3A_186 = vector.broadcast %max3A_185 : f32 to vector<64x128xf32>
      %max3A_187 = arith.maximumf %add3A_184, %max3A_186 : vector<64x128xf32>
      %get3A_188 = arith.constant 0 : index
      %get3A_189 = arith.constant 0 : index
      %get3A_190 = vector.load %arg11[%get3A_188, %get3A_189] : memref<128x64xf32, #tpu.memory_space<vmem>>, vector<128x64xf32>
      %dot_general3A_191 = arith.constant dense<0.000000e+00> : vector<64x64xf32>
      %dot_general3A_192 = tpu.matmul %max3A_187, %get3A_190, %dot_general3A_191 {dimension_numbers = #tpu.dot_dimension_numbers<[1], [0], [0], [1], [0, 0, 1, 1], [], []>, transpose_lhs_hint = false} : vector<64x128xf32>, vector<128x64xf32>, vector<64x64xf32> -> vector<64x64xf32>
      %get3A_193 = arith.constant 0 : index
      %get3A_194 = vector.load %arg12[%get3A_193] : memref<64xf32, #tpu.memory_space<vmem>>, vector<64xf32>
      %reshape3A_195 = vector.shape_cast %get3A_194 : vector<64xf32> to vector<1x64xf32>
      %add3A_196 = vector.broadcast %reshape3A_195 : vector<1x64xf32> to vector<64x64xf32>
      %add3A_197 = arith.addf %dot_general3A_192, %add3A_196 : vector<64x64xf32>
      %max3A_198 = arith.constant 0.000000e+00 : f32
      %max3A_199 = vector.broadcast %max3A_198 : f32 to vector<64x64xf32>
      %max3A_200 = arith.maximumf %add3A_197, %max3A_199 : vector<64x64xf32>
      %get3A_201 = arith.constant 0 : index
      %get3A_202 = arith.constant 0 : index
      %get3A_203 = vector.load %arg13[%get3A_201, %get3A_202] : memref<64x2xf32, #tpu.memory_space<vmem>>, vector<64x2xf32>
      %dot_general3A_204 = arith.constant dense<0.000000e+00> : vector<64x2xf32>
      %dot_general3A_205 = tpu.matmul %max3A_200, %get3A_203, %dot_general3A_204 {dimension_numbers = #tpu.dot_dimension_numbers<[1], [0], [0], [1], [0, 0, 1, 1], [], []>, transpose_lhs_hint = false} : vector<64x64xf32>, vector<64x2xf32>, vector<64x2xf32> -> vector<64x2xf32>
      %get3A_206 = arith.constant 0 : index
      %get3A_207 = vector.load %arg14[%get3A_206] : memref<2xf32, #tpu.memory_space<vmem>>, vector<2xf32>
      %reshape3A_208 = vector.shape_cast %get3A_207 : vector<2xf32> to vector<1x2xf32>
      %add3A_209 = vector.broadcast %reshape3A_208 : vector<1x2xf32> to vector<64x2xf32>
      %add3A_210 = arith.addf %dot_general3A_205, %add3A_209 : vector<64x2xf32>
      %slice3A = vector.extract_strided_slice %add3A_210 {offsets = [0, 0], sizes = [64, 1], strides = [1, 1]} : vector<64x2xf32> to vector<64x1xf32>
      %slice3A_211 = vector.extract_strided_slice %add3A_210 {offsets = [0, 1], sizes = [64, 1], strides = [1, 1]} : vector<64x2xf32> to vector<64x1xf32>
      %max3A_212 = arith.maximumf %slice3A, %slice3A_211 : vector<64x1xf32>
      %sub3A_213 = arith.subf %slice3A, %max3A_212 : vector<64x1xf32>
      %exp3A = math.exp %sub3A_213 : vector<64x1xf32>
      %sub3A_214 = arith.subf %slice3A_211, %max3A_212 : vector<64x1xf32>
      %exp3A_215 = math.exp %sub3A_214 : vector<64x1xf32>
      %add3A_216 = arith.addf %exp3A, %exp3A_215 : vector<64x1xf32>
      %div3A_217 = arith.divf %exp3A, %add3A_216 : vector<64x1xf32>
      %div3A_218 = arith.divf %exp3A_215, %add3A_216 : vector<64x1xf32>
      %reshape3A_219 = vector.shape_cast %div3A_217 : vector<64x1xf32> to vector<64xf32>
      %swap3A_220 = arith.constant 0 : index
      %swap3A_221 = vector.load %arg16[%swap3A_220] : memref<64xf32, #tpu.memory_space<vmem>>, vector<64xf32>
      tpu.vector_store %arg16[%swap3A_220], %reshape3A_219 {strides = array<i32>} : memref<64xf32, #tpu.memory_space<vmem>>, vector<64xf32>,
      %reshape3A_222 = vector.shape_cast %div3A_218 : vector<64x1xf32> to vector<64xf32>
      %swap3A_223 = arith.constant 0 : index
      %swap3A_224 = vector.load %arg17[%swap3A_223] : memref<64xf32, #tpu.memory_space<vmem>>, vector<64xf32>
      tpu.vector_store %arg17[%swap3A_223], %reshape3A_222 {strides = array<i32>} : memref<64xf32, #tpu.memory_space<vmem>>, vector<64xf32>,
      %swap3A_225 = arith.constant 0 : index
      %swap3A_226 = arith.constant 0 : index
      %swap3A_227 = vector.load %arg19[%swap3A_225, %swap3A_226] : memref<64x1xf32, #tpu.memory_space<vmem>>, vector<64x1xf32>
      tpu.vector_store %arg19[%swap3A_225, %swap3A_226], %div3A_217 {strides = array<i32>} : memref<64x1xf32, #tpu.memory_space<vmem>>, vector<64x1xf32>,
      %swap3A_228 = arith.constant 0 : index
      %swap3A_229 = arith.constant 0 : index
      %swap3A_230 = vector.load %arg20[%swap3A_228, %swap3A_229] : memref<64x1xf32, #tpu.memory_space<vmem>>, vector<64x1xf32>
      tpu.vector_store %arg20[%swap3A_228, %swap3A_229], %div3A_218 {strides = array<i32>} : memref<64x1xf32, #tpu.memory_space<vmem>>, vector<64x1xf32>,
    } else {
    }
    %get3A = arith.constant 0 : index
    %get3A_2 = arith.constant 0 : index
    %get3A_3 = arith.constant 0 : index
    %get3A_4 = vector.load %arg4[%get3A, %get3A_2, %get3A_3] : memref<1x1x5000xi32, #tpu.memory_space<vmem>>, vector<1x1x5000xi32>
    %reshape3A = vector.shape_cast %get3A_4 : vector<1x1x5000xi32> to vector<1x5000xi32>
    %iota3A = tpu.iota {dimensions = array<i32: 0>} : vector<64x1xi32>
    %eq3A_5 = vector.broadcast %reshape3A : vector<1x5000xi32> to vector<64x5000xi32>
    %eq3A_6 = vector.broadcast %iota3A : vector<64x1xi32> to vector<64x5000xi32>
    %eq3A_7 = arith.cmpi eq, %eq3A_5, %eq3A_6 : vector<64x5000xi32>
    %convert_element_type3A_8 = arith.extui %eq3A_7 : vector<64x5000xi1> to vector<64x5000xi32>
    %convert_element_type3A_9 = arith.sitofp %convert_element_type3A_8 : vector<64x5000xi32> to vector<64x5000xf32>
    %get3A_10 = arith.constant 0 : index
    %get3A_11 = arith.constant 0 : index
    %get3A_12 = vector.load %arg19[%get3A_10, %get3A_11] : memref<64x1xf32, #tpu.memory_space<vmem>>, vector<64x1xf32>
    %dot_general3A = arith.constant dense<0.000000e+00> : vector<5000x1xf32>
    %dot_general3A_13 = tpu.matmul %convert_element_type3A_9, %get3A_12, %dot_general3A {dimension_numbers = #tpu.dot_dimension_numbers<[0], [0], [1], [1], [0, 1, 1, 1], [], []>, transpose_lhs_hint = false} : vector<64x5000xf32>, vector<64x1xf32>, vector<5000x1xf32> -> vector<5000x1xf32>
    %get3A_14 = arith.constant 0 : index
    %get3A_15 = arith.constant 0 : index
    %get3A_16 = vector.load %arg20[%get3A_14, %get3A_15] : memref<64x1xf32, #tpu.memory_space<vmem>>, vector<64x1xf32>
    %dot_general3A_17 = arith.constant dense<0.000000e+00> : vector<5000x1xf32>
    %dot_general3A_18 = tpu.matmul %convert_element_type3A_9, %get3A_16, %dot_general3A_17 {dimension_numbers = #tpu.dot_dimension_numbers<[0], [0], [1], [1], [0, 1, 1, 1], [], []>, transpose_lhs_hint = false} : vector<64x5000xf32>, vector<64x1xf32>, vector<5000x1xf32> -> vector<5000x1xf32>
    %get3A_19 = arith.constant 0 : index
    %get3A_20 = arith.constant 0 : index
    %get3A_21 = vector.load %arg5[%get3A_19, %get3A_20] : memref<5000x128xf32, #tpu.memory_space<vmem>>, vector<5000x128xf32>
    %mul3A = vector.broadcast %dot_general3A_13 : vector<5000x1xf32> to vector<5000x128xf32>
    %mul3A_22 = arith.mulf %mul3A, %get3A_21 : vector<5000x128xf32>
    %get3A_23 = arith.constant 0 : index
    %get3A_24 = arith.constant 0 : index
    %get3A_25 = vector.load %arg6[%get3A_23, %get3A_24] : memref<5000x128xf32, #tpu.memory_space<vmem>>, vector<5000x128xf32>
    %mul3A_26 = vector.broadcast %dot_general3A_18 : vector<5000x1xf32> to vector<5000x128xf32>
    %mul3A_27 = arith.mulf %mul3A_26, %get3A_25 : vector<5000x128xf32>
    %add3A = arith.addf %mul3A_22, %mul3A_27 : vector<5000x128xf32>
    %swap3A = arith.constant 0 : index
    %swap3A_28 = arith.constant 0 : index
    %swap3A_29 = vector.load %arg15[%swap3A, %swap3A_28] : memref<5000x128xf32, #tpu.memory_space<vmem>>, vector<5000x128xf32>
    tpu.vector_store %arg15[%swap3A, %swap3A_28], %add3A {strides = array<i32>} : memref<5000x128xf32, #tpu.memory_space<vmem>>, vector<5000x128xf32>,
    return
  }
  func.func @transform_0(%arg0: i32) -> (i32, i32) {
    %c0_i32 = arith.constant 0 : i32
    %c0_i32_0 = arith.constant 0 : i32
    %c0_i32_1 = arith.constant 0 : i32
    return %c0_i32, %c0_i32_0 : i32, i32
  }
  func.func @transform_1(%arg0: i32) -> (i32, i32) {
    %c0_i32 = arith.constant 0 : i32
    %c0_i32_0 = arith.constant 0 : i32
    %c0_i32_1 = arith.constant 0 : i32
    return %c0_i32, %c0_i32_0 : i32, i32
  }
  func.func @transform_2(%arg0: i32) -> (i32, i32) {
    %c0_i32 = arith.constant 0 : i32
    %c0_i32_0 = arith.constant 0 : i32
    %c0_i32_1 = arith.constant 0 : i32
    return %c0_i32, %c0_i32_0 : i32, i32
  }
  func.func @transform_3(%arg0: i32) -> (i32, i32, i32) {
    %c0_i32 = arith.constant 0 : i32
    %c0_i32_0 = arith.constant 0 : i32
    %c0_i32_1 = arith.constant 0 : i32
    return %arg0, %c0_i32, %c0_i32_0 : i32, i32, i32
  }
  func.func @transform_4(%arg0: i32) -> (i32, i32) {
    %c0_i32 = arith.constant 0 : i32
    %c0_i32_0 = arith.constant 0 : i32
    return %arg0, %c0_i32 : i32, i32
  }
  func.func @transform_5(%arg0: i32) -> (i32, i32) {
    %c0_i32 = arith.constant 0 : i32
    %c0_i32_0 = arith.constant 0 : i32
    return %arg0, %c0_i32 : i32, i32
  }
  func.func @transform_6(%arg0: i32) -> (i32, i32) {
    %c0_i32 = arith.constant 0 : i32
    %c0_i32_0 = arith.constant 0 : i32
    %c0_i32_1 = arith.constant 0 : i32
    return %c0_i32, %c0_i32_0 : i32, i32
  }
  func.func @transform_7(%arg0: i32) -> i32 {
    %c0_i32 = arith.constant 0 : i32
    %c0_i32_0 = arith.constant 0 : i32
    return %c0_i32 : i32
  }
  func.func @transform_8(%arg0: i32) -> i32 {
    %c0_i32 = arith.constant 0 : i32
    %c0_i32_0 = arith.constant 0 : i32
    return %c0_i32 : i32
  }
  func.func @transform_9(%arg0: i32) -> i32 {
    %c0_i32 = arith.constant 0 : i32
    %c0_i32_0 = arith.constant 0 : i32
    return %c0_i32 : i32
  }
  func.func @transform_10(%arg0: i32) -> (i32, i32) {
    %c0_i32 = arith.constant 0 : i32
    %c0_i32_0 = arith.constant 0 : i32
    %c0_i32_1 = arith.constant 0 : i32
    return %c0_i32, %c0_i32_0 : i32, i32
  }
  func.func @transform_11(%arg0: i32) -> i32 {
    %c0_i32 = arith.constant 0 : i32
    %c0_i32_0 = arith.constant 0 : i32
    return %c0_i32 : i32
  }
  func.func @transform_12(%arg0: i32) -> (i32, i32) {
    %c0_i32 = arith.constant 0 : i32
    %c0_i32_0 = arith.constant 0 : i32
    %c0_i32_1 = arith.constant 0 : i32
    return %c0_i32, %c0_i32_0 : i32, i32
  }
  func.func @transform_13(%arg0: i32) -> i32 {
    %c0_i32 = arith.constant 0 : i32
    %c0_i32_0 = arith.constant 0 : i32
    return %c0_i32 : i32
  }
  func.func @transform_14(%arg0: i32) -> (i32, i32) {
    %c0_i32 = arith.constant 0 : i32
    %c0_i32_0 = arith.constant 0 : i32
    return %arg0, %c0_i32 : i32, i32
  }
  func.func @transform_15(%arg0: i32) -> i32 {
    %c0_i32 = arith.constant 0 : i32
    %c0_i32_0 = arith.constant 0 : i32
    return %c0_i32 : i32
  }
  func.func @transform_16(%arg0: i32) -> i32 {
    %c0_i32 = arith.constant 0 : i32
    %c0_i32_0 = arith.constant 0 : i32
    return %c0_i32 : i32
  }
  func.func @transform_17(%arg0: i32) -> (i32, i32) {
    %c0_i32 = arith.constant 0 : i32
    %c0_i32_0 = arith.constant 0 : i32
    %c0_i32_1 = arith.constant 0 : i32
    return %c0_i32, %c0_i32_0 : i32, i32
  }
}

module attributes {stable_mosaic.version = 14 : i64} {
  func.func @_sums_body(%arg0: i32, %arg1: memref<1x1x5000xi32, #tpu.memory_space<vmem>>, %arg2: memref<5000x128xf32, #tpu.memory_space<vmem>>, %arg3: memref<5000x128xf32, #tpu.memory_space<vmem>>, %arg4: memref<64x256xf32, #tpu.memory_space<vmem>>, %arg5: memref<64x1xf32, #tpu.memory_space<vmem>>, %arg6: memref<64x256xf32, #tpu.memory_space<vmem>>, %arg7: memref<64x1xf32, #tpu.memory_space<vmem>>) attributes {dimension_semantics = [#tpu.dimension_semantics<arbitrary>], iteration_bounds = array<i64: 2>, scalar_prefetch = 0 : i64, scratch_operands = 2 : i64, tpu.core_type = #tpu.core_type<tc>, window_params = [{transform_indices = @transform_0, window_bounds = array<i64: 1, 1, 5000>}, {transform_indices = @transform_1, window_bounds = array<i64: 5000, 128>}, {transform_indices = @transform_2, window_bounds = array<i64: 5000, 128>}, {pipeline_mode = #tpu.pipeline_mode<synchronous>, transform_indices = @transform_3, window_bounds = array<i64: 64, 256>}, {pipeline_mode = #tpu.pipeline_mode<synchronous>, transform_indices = @transform_4, window_bounds = array<i64: 64, 1>}]} {
    %get3A = arith.constant 0 : index
    %get3A_0 = arith.constant 0 : index
    %get3A_1 = arith.constant 0 : index
    %get3A_2 = vector.load %arg1[%get3A, %get3A_0, %get3A_1] : memref<1x1x5000xi32, #tpu.memory_space<vmem>>, vector<1x1x5000xi32>
    %reshape3A = vector.shape_cast %get3A_2 : vector<1x1x5000xi32> to vector<1x5000xi32>
    %iota3A = tpu.iota {dimensions = array<i32: 0>} : vector<64x1xi32>
    %eq3A = vector.broadcast %reshape3A : vector<1x5000xi32> to vector<64x5000xi32>
    %eq3A_3 = vector.broadcast %iota3A : vector<64x1xi32> to vector<64x5000xi32>
    %eq3A_4 = arith.cmpi eq, %eq3A, %eq3A_3 : vector<64x5000xi32>
    %eq3A_5 = arith.constant 0 : i32
    %eq3A_6 = arith.cmpi eq, %arg0, %eq3A_5 : i32
    %convert_element_type3A = arith.extui %eq3A_6 : i1 to i32
    %cond3A = arith.constant 0 : i32
    %cond3A_7 = arith.cmpi ne, %convert_element_type3A, %cond3A : i32
    scf.if %cond3A_7 {
      %broadcast_in_dim3A_40 = arith.constant 0.000000e+00 : f32
      %broadcast_in_dim3A_41 = vector.broadcast %broadcast_in_dim3A_40 : f32 to vector<64x256xf32>
      %swap3A_42 = arith.constant 0 : index
      %swap3A_43 = arith.constant 0 : index
      %swap3A_44 = vector.load %arg6[%swap3A_42, %swap3A_43] : memref<64x256xf32, #tpu.memory_space<vmem>>, vector<64x256xf32>
      tpu.vector_store %arg6[%swap3A_42, %swap3A_43], %broadcast_in_dim3A_41 {strides = array<i32>} : memref<64x256xf32, #tpu.memory_space<vmem>>, vector<64x256xf32>,
      %broadcast_in_dim3A_45 = arith.constant 0.000000e+00 : f32
      %broadcast_in_dim3A_46 = vector.broadcast %broadcast_in_dim3A_45 : f32 to vector<64x1xf32>
      %swap3A_47 = arith.constant 0 : index
      %swap3A_48 = arith.constant 0 : index
      %swap3A_49 = vector.load %arg7[%swap3A_47, %swap3A_48] : memref<64x1xf32, #tpu.memory_space<vmem>>, vector<64x1xf32>
      tpu.vector_store %arg7[%swap3A_47, %swap3A_48], %broadcast_in_dim3A_46 {strides = array<i32>} : memref<64x1xf32, #tpu.memory_space<vmem>>, vector<64x1xf32>,
    } else {
    }
    %convert_element_type3A_8 = arith.extui %eq3A_4 : vector<64x5000xi1> to vector<64x5000xi32>
    %convert_element_type3A_9 = arith.sitofp %convert_element_type3A_8 : vector<64x5000xi32> to vector<64x5000xf32>
    %convert_element_type3A_10 = arith.truncf %convert_element_type3A_9 : vector<64x5000xf32> to vector<64x5000xbf16>
    %get3A_11 = arith.constant 0 : index
    %get3A_12 = arith.constant 0 : index
    %get3A_13 = vector.load %arg2[%get3A_11, %get3A_12] : memref<5000x128xf32, #tpu.memory_space<vmem>>, vector<5000x128xf32>
    %convert_element_type3A_14 = arith.truncf %get3A_13 : vector<5000x128xf32> to vector<5000x128xbf16>
    %get3A_15 = arith.constant 0 : index
    %get3A_16 = arith.constant 0 : index
    %get3A_17 = vector.load %arg3[%get3A_15, %get3A_16] : memref<5000x128xf32, #tpu.memory_space<vmem>>, vector<5000x128xf32>
    %convert_element_type3A_18 = arith.truncf %get3A_17 : vector<5000x128xf32> to vector<5000x128xbf16>
    %concatenate3A = tpu.concatenate %convert_element_type3A_14, %convert_element_type3A_18 in 1 : vector<5000x128xbf16>, vector<5000x128xbf16> -> vector<5000x256xbf16>
    %get3A_19 = arith.constant 0 : index
    %get3A_20 = arith.constant 0 : index
    %get3A_21 = vector.load %arg6[%get3A_19, %get3A_20] : memref<64x256xf32, #tpu.memory_space<vmem>>, vector<64x256xf32>
    %dot_general3A = arith.constant dense<0.000000e+00> : vector<64x256xf32>
    %dot_general3A_22 = tpu.matmul %convert_element_type3A_10, %concatenate3A, %dot_general3A {dimension_numbers = #tpu.dot_dimension_numbers<[1], [0], [0], [1], [0, 0, 1, 1], [], []>, transpose_lhs_hint = false} : vector<64x5000xbf16>, vector<5000x256xbf16>, vector<64x256xf32> -> vector<64x256xf32>
    %add3A = arith.addf %get3A_21, %dot_general3A_22 : vector<64x256xf32>
    %swap3A = arith.constant 0 : index
    %swap3A_23 = arith.constant 0 : index
    %swap3A_24 = vector.load %arg6[%swap3A, %swap3A_23] : memref<64x256xf32, #tpu.memory_space<vmem>>, vector<64x256xf32>
    tpu.vector_store %arg6[%swap3A, %swap3A_23], %add3A {strides = array<i32>} : memref<64x256xf32, #tpu.memory_space<vmem>>, vector<64x256xf32>,
    %get3A_25 = arith.constant 0 : index
    %get3A_26 = arith.constant 0 : index
    %get3A_27 = vector.load %arg7[%get3A_25, %get3A_26] : memref<64x1xf32, #tpu.memory_space<vmem>>, vector<64x1xf32>
    %convert_element_type3A_28 = arith.extui %eq3A_4 : vector<64x5000xi1> to vector<64x5000xi32>
    %convert_element_type3A_29 = arith.sitofp %convert_element_type3A_28 : vector<64x5000xi32> to vector<64x5000xf32>
    %reduce_sum3A = arith.constant dense<0.000000e+00> : vector<64xf32>
    %reduce_sum3A_30 = vector.multi_reduction <add>, %convert_element_type3A_29, %reduce_sum3A [1] : vector<64x5000xf32> to vector<64xf32>
    %broadcast_in_dim3A = vector.shape_cast %reduce_sum3A_30 : vector<64xf32> to vector<64x1xf32>
    %add3A_31 = arith.addf %get3A_27, %broadcast_in_dim3A : vector<64x1xf32>
    %swap3A_32 = arith.constant 0 : index
    %swap3A_33 = arith.constant 0 : index
    %swap3A_34 = vector.load %arg7[%swap3A_32, %swap3A_33] : memref<64x1xf32, #tpu.memory_space<vmem>>, vector<64x1xf32>
    tpu.vector_store %arg7[%swap3A_32, %swap3A_33], %add3A_31 {strides = array<i32>} : memref<64x1xf32, #tpu.memory_space<vmem>>, vector<64x1xf32>,
    %eq3A_35 = arith.constant 1 : i32
    %eq3A_36 = arith.cmpi eq, %arg0, %eq3A_35 : i32
    %convert_element_type3A_37 = arith.extui %eq3A_36 : i1 to i32
    %cond3A_38 = arith.constant 0 : i32
    %cond3A_39 = arith.cmpi ne, %convert_element_type3A_37, %cond3A_38 : i32
    scf.if %cond3A_39 {
      %get3A_40 = arith.constant 0 : index
      %get3A_41 = arith.constant 0 : index
      %get3A_42 = vector.load %arg6[%get3A_40, %get3A_41] : memref<64x256xf32, #tpu.memory_space<vmem>>, vector<64x256xf32>
      %swap3A_43 = arith.constant 0 : index
      %swap3A_44 = arith.constant 0 : index
      %swap3A_45 = vector.load %arg4[%swap3A_43, %swap3A_44] : memref<64x256xf32, #tpu.memory_space<vmem>>, vector<64x256xf32>
      tpu.vector_store %arg4[%swap3A_43, %swap3A_44], %get3A_42 {strides = array<i32>} : memref<64x256xf32, #tpu.memory_space<vmem>>, vector<64x256xf32>,
      %get3A_46 = arith.constant 0 : index
      %get3A_47 = arith.constant 0 : index
      %get3A_48 = vector.load %arg7[%get3A_46, %get3A_47] : memref<64x1xf32, #tpu.memory_space<vmem>>, vector<64x1xf32>
      %swap3A_49 = arith.constant 0 : index
      %swap3A_50 = arith.constant 0 : index
      %swap3A_51 = vector.load %arg5[%swap3A_49, %swap3A_50] : memref<64x1xf32, #tpu.memory_space<vmem>>, vector<64x1xf32>
      tpu.vector_store %arg5[%swap3A_49, %swap3A_50], %get3A_48 {strides = array<i32>} : memref<64x1xf32, #tpu.memory_space<vmem>>, vector<64x1xf32>,
    } else {
    }
    return
  }
  func.func @transform_0(%arg0: i32) -> (i32, i32, i32) {
    %c0_i32 = arith.constant 0 : i32
    %c0_i32_0 = arith.constant 0 : i32
    %c0_i32_1 = arith.constant 0 : i32
    return %arg0, %c0_i32, %c0_i32_0 : i32, i32, i32
  }
  func.func @transform_1(%arg0: i32) -> (i32, i32) {
    %c0_i32 = arith.constant 0 : i32
    %c0_i32_0 = arith.constant 0 : i32
    return %arg0, %c0_i32 : i32, i32
  }
  func.func @transform_2(%arg0: i32) -> (i32, i32) {
    %c0_i32 = arith.constant 0 : i32
    %c0_i32_0 = arith.constant 0 : i32
    return %arg0, %c0_i32 : i32, i32
  }
  func.func @transform_3(%arg0: i32) -> (i32, i32) {
    %c0_i32 = arith.constant 0 : i32
    %c0_i32_0 = arith.constant 0 : i32
    %c0_i32_1 = arith.constant 0 : i32
    return %c0_i32, %c0_i32_0 : i32, i32
  }
  func.func @transform_4(%arg0: i32) -> (i32, i32) {
    %c0_i32 = arith.constant 0 : i32
    %c0_i32_0 = arith.constant 0 : i32
    %c0_i32_1 = arith.constant 0 : i32
    return %c0_i32, %c0_i32_0 : i32, i32
  }
}

</mosaic_0001>

<sc_bundles>
// kernel: kernel.5.cloned.1.call-start
scs
__scs_entry_jumppad:
0x0: {  	(pc) =	sbr.rel $0x88, $3  }
0x1: {  	(tag) =	ssettag $0x0;
	lr =	simm.s32 $0x1  }
0x2: {  	[smem:$0x3F95] =	sst lr;
	_ =	strace $0xD0000000  }
0x3: {  	_ = 	snop  }
0x4: {  	_ = 	snop  }
0x5: {  	_ = 	snop  }
0x6: {  	_ = 	snop  }
0x7: {  	_ = 	snop  }
__scs_overlays_trampoline_lowered:
0x8: {  	[smem:$0x3FA4] =	sst s0  }
0x9: {  	[smem:$0x3FA5] =	sst s1  }
0xa: {  	[smem:$0x3FA6] =	sst s2  }
0xb: {  	[smem:$0x3FA7] =	sst s3  }
0xc: {  	[smem:$0x3FA8] =	sst s4  }
0xd: {  	[smem:$0x3FA9] =	sst s5  }
0xe: {  	[smem:$0x3FAA] =	sst s6  }
0xf: {  	[smem:$0x3FAB] =	sst s7  }
0x10: {  	[smem:$0x3FAC] =	sst s8  }
0x11: {  	[smem:$0x3FAD] =	sst s9;
	s0 =	simm.s32 @!p0 $0x0  }
0x12: {  	s1 =	sld [smem:$0x3F93];
	s0 =	simm.s32 @p0 $0x1  }
0x13: {  	[smem:$0x3FAE] =	sst s0;
	s0 =	simm.s32 @!p1 $0x0  }
0x14: {  	s2 =	sld [smem:$0x3F92];
	s0 =	simm.s32 @p1 $0x1  }
0x15: {  	[smem:$0x3FAF] =	sst s0;
	s0 =	simm.s32 @!p2 $0x0  }
0x16: {  	s3 =	sld [smem:$0x3FDB];
	s0 =	simm.s32 @p2 $0x1  }
0x17: {  	s4 =	simm.s32 $0x1BF5;
	[smem:$0x3FB1] =	sst s0  }
0x18: {  	s0 =	sld [smem:$0x3F94];
	_ =	swait.ge [sflag:s4], $0x0  }
0x19: {  	s7 =	sld [smem:$0x3F95]  }
0x1a: {  	s8 =	sadd.s32 $0xFFFFE003, lr  }
0x1b: {  	s9 =	sadd.s32 $0xFFFFFEF7, lr;
	s5 =	simm.s32 $0xFFFFFFFF;
	p2 =	slt.u32 s8, $0xFFFFF086  }
0x1c: {  	p1 =	slt.u32 s9, $0xF7A;
	s5 =	simm.s32 @!p2 $0x0  }
0x1d: {  	s5 =	simm.s32 @p1 $0x1;
	p0 =	seq.s32 s7, s2  }
0x1e: {  	s7 =	smul.u32 @!p0 $0xF7A, s2;
	p2 =	seq.s32 @!p0 s5, $0x0  }
0x1f: {  	s9 =	smul.u32 $0xF7A, s1;
	s8 =	simm.s32 @!p0 $0x1BF5;
	p2 =	por !p2, p0  }
0x20: {  	[sflag:s8] =	ssyncset.s32 @!p0 $0xFFFFF086;
	s6 =	sadd.s32 @!p0 s3, s7;
	s7 =	simm.s32 @!p0 $0x108  }
0x21: {  	s3 =	sadd.s32 s3, s9;
	s6 =	sadd.s32 @!p0 $0x88, s6;
	s7 =	simm.s32 @p2 $0x1082  }
0x22: {  	[simem:s7], [sflag:s8] =	dma.local @!p0 [hbm:s6], $0xF7A  }
0x23: {  	s9 =	sor.u32 $0xD0000000, s2;
	s6 =	simm.s32 $0x108;
	_ =	swait.ge @!p0 [sflag:s8], $0x0  }
0x24: {  	s3 =	sadd.s32 $0x88, s3;
	s6 =	simm.s32 @!p1 $0x1082;
	[sflag:s4] =	ssyncset.s32 $0xFFFFF086  }
0x25: {  	[simem:s6], [sflag:s4] =	dma.local [hbm:s3], $0xF7A  }
0x26: {  	[smem:$0x3F95] =	sst s1;
	(tag) =	ssettag s2;
	_ =	strace s9  }
0x27: {  	s1 =	sld [smem:$0x3FA5]  }
0x28: {  	s2 =	sld [smem:$0x3FA6]  }
0x29: {  	s4 =	sld [smem:$0x3FA8]  }
0x2a: {  	p0 =	seq.s32 s5, $0x0;
	s5 =	sld [smem:$0x3FA9]  }
0x2b: {  	s6 =	sld [smem:$0x3FAA]  }
0x2c: {  	s7 =	sld [smem:$0x3FAB]  }
0x2d: {  	s3 =	simm.s32 $0x108;
	s8 =	sld [smem:$0x3FAC]  }
0x2e: {  	s3 =	simm.s32 @!p0 $0x1082;
	s9 =	sld [smem:$0x3FAD]  }
0x2f: {  	lr =	sadd.s32 s0, s3;
	s0 =	sld [smem:$0x3FA4]  }
0x30: {  	s3 =	sld [smem:$0x3FA7]  }
0x31: {  	[smem:$0x3FB0] =	sst s10  }
0x32: {  	s10 =	sld [smem:$0x3FAE];
	_ =	sdelay $0x3  }
0x33: {  	p0 =	seq.s32 s10, $0x1;
	s10 =	sld [smem:$0x3FB0];
	_ =	sdelay $0x3  }
0x34: {  	[smem:$0x3FB0] =	sst s10  }
0x35: {  	s10 =	sld [smem:$0x3FAF];
	_ =	sdelay $0x3  }
0x36: {  	p1 =	seq.s32 s10, $0x1;
	s10 =	sld [smem:$0x3FB0];
	_ =	sdelay $0x3  }
0x37: {  	[smem:$0x3FB0] =	sst s10  }
0x38: {  	s10 =	sld [smem:$0x3FB1]  }
0x39: {  	_ = 	snop;
	(pc) =	sbr.ind lr, $3  }
0x3a: {  	_ = 	snop  }
0x3b: {  	_ = 	snop  }
0x3c: {  	p2 =	seq.s32 s10, $0x1;
	s10 =	sld [smem:$0x3FB0]  }
0x3d: {  	_ =	shalt  }
0x3e: {  	_ =	shalt  }
0x3f: {  	_ =	shalt  }
0x40: {  	_ =	shalt  }
0x41: {  	_ =	shalt  }
0x42: {  	_ =	shalt  }
0x43: {  	_ =	shalt  }
0x44: {  	_ =	shalt  }
0x45: {  	_ =	shalt  }
0x46: {  	_ =	shalt  }
0x47: {  	_ =	shalt  }
0x48: {  	_ =	shalt  }
0x49: {  	_ =	shalt  }
0x4a: {  	_ =	shalt  }
0x4b: {  	_ =	shalt  }
0x4c: {  	_ =	shalt  }
0x4d: {  	_ =	shalt  }
0x4e: {  	_ =	shalt  }
0x4f: {  	_ =	shalt  }
0x50: {  	_ =	shalt  }
0x51: {  	_ =	shalt  }
0x52: {  	_ =	shalt  }
0x53: {  	_ =	shalt  }
0x54: {  	_ =	shalt  }
0x55: {  	_ =	shalt  }
0x56: {  	_ =	shalt  }
0x57: {  	_ =	shalt  }
0x58: {  	_ =	shalt  }
0x59: {  	_ =	shalt  }
0x5a: {  	_ =	shalt  }
0x5b: {  	_ =	shalt  }
0x5c: {  	_ =	shalt  }
0x5d: {  	_ =	shalt  }
0x5e: {  	_ =	shalt  }
0x5f: {  	_ =	shalt  }
0x60: {  	_ =	shalt  }
0x61: {  	_ =	shalt  }
0x62: {  	_ =	shalt  }
0x63: {  	_ =	shalt  }
0x64: {  	_ =	shalt  }
0x65: {  	_ =	shalt  }
0x66: {  	_ =	shalt  }
0x67: {  	_ =	shalt  }
0x68: {  	_ =	shalt  }
0x69: {  	_ =	shalt  }
0x6a: {  	_ =	shalt  }
0x6b: {  	_ =	shalt  }
0x6c: {  	_ =	shalt  }
0x6d: {  	_ =	shalt  }
0x6e: {  	_ =	shalt  }
0x6f: {  	_ =	shalt  }
0x70: {  	_ =	shalt  }
0x71: {  	_ =	shalt  }
0x72: {  	_ =	shalt  }
0x73: {  	_ =	shalt  }
0x74: {  	_ =	shalt  }
0x75: {  	_ =	shalt  }
0x76: {  	_ =	shalt  }
0x77: {  	_ =	shalt  }
0x78: {  	_ =	shalt  }
0x79: {  	_ =	shalt  }
0x7a: {  	_ =	shalt  }
0x7b: {  	_ =	shalt  }
0x7c: {  	_ =	shalt  }
0x7d: {  	_ =	shalt  }
0x7e: {  	_ =	shalt  }
0x7f: {  	_ =	shalt  }
0x80: {  	_ =	shalt  }
0x81: {  	_ =	shalt  }
0x82: {  	_ =	shalt  }
0x83: {  	_ =	shalt  }
0x84: {  	_ =	shalt  }
0x85: {  	_ =	shalt  }
0x86: {  	_ =	shalt  }
0x87: {  	_ =	shalt  }
.Lfunc_end0:
.L_simem_size_0:
called_computation_lowered:
.L_overlay_start_0:
0x88: {  	s2 =	sld [smem:$0x3FD9]  }
0x89: {  	s3 =	sld [smem:$0x3FFE];
	_ =	sdelay $0x1  }
0x8a: {  	s1 =	srdreg.scid  }
0x8b: {  	s0 =	sand.u32 $0x1, s1  }
0x8c: {  	s15 =	sshll.u32 s0, $0xA;
	s2 =	sadd.s32 s3, s2  }
0x8d: {  	s2 =	sadd.s32 s2, s15  }
0x8e: {  	[smem:$0x3FBC] =	sst s2  }
0x8f: {  	_ = 	snop  }
0x90: {  	s2 =	sld [smem:$0x3FD0];
	_ =	sdelay $0x1  }
0x91: {  	s16 =	sld [smem:$0x3FC7]  }
0x92: {  	s5 =	simm.s32 $0xA;
	s6 =	simm.s32 $0x10;
	s4 =	sld [smem:$0x3FC6]  }
0x93: {  	[smem:s6], [sflag:s5] =	dma.local [hbm:s2], $0x1  }
0x94: {  	_ =	swait.eq [sflag:s5], $0x1  }
0x95: {  	[sflag:s5] =	ssyncset.done $0x0  }
0x96: {  	[sflag:s5] =	ssyncadd.s32 $0xFFFFFFFF  }
0x97: {  	s17 =	sld [smem:$0x10];
	(tm) =	ssettm $0x1  }
0x98: {  	s18 =	sld [smem:$0x3FFB];
	_ =	sdelay $0x3  }
0x99: {  	_ =	strace s18  }
0x9a: {  	s5 =	sld [smem:$0x3FFC];
	_ =	sdelay $0x3  }
0x9b: {  	_ =	strace s5  }
0x9c: {  	s5 =	sld [smem:$0x3FFD];
	_ =	sdelay $0x3  }
0x9d: {  	_ =	strace s5  }
0x9e: {  	_ =	strace $0x8FFFFFFF  }
0x9f: {  	s19 =	sld [smem:$0x3FDB];
	_ =	sdelay $0x1  }
0xa0: {  	s20 =	simm.s32 $_scs_section_size  }
0xa1: {  	s7 =	simm.s32 $_size__tile_overlayer_lowered;
	s8 =	simm.s32 $_tile_overlayer_lowered  }
0xa2: {  	s23 =	simm.s32 $0x1BFF;
	s22 =	sshll.u32 s8, $0x1;
	s5 =	sadd.s32 s20, s19  }
0xa3: {  	s9 =	simm.s32 $0x0;
	s21 =	sshll.u32 s7, $0x1;
	s7 =	sadd.s32 s22, s5  }
0xa4: {  	[timem:s9], [sflag:s23] =	dma.local [hbm:s7], s21  }
0xa5: {  	_ =	swait.ge [sflag:s23], s21  }
0xa6: {  	s6 =	ssub.s32 $0x0, s21;
	[sflag:s23] =	ssyncset.done $0x0  }
0xa7: {  	[sflag:s23] =	ssyncadd.s32 s6;
	_ =	sdelay $0x1  }
0xa8: {  	s24 =	simm.s32 $0x1B8B  }
0xa9: {  	_ =	swait.ge [sflag:s24], $0x1  }
0xaa: {  	[sflag:s24] =	ssyncset.done $0x0  }
0xab: {  	s25 =	simm.s32 $0x1B8E;
	[sflag:s24] =	ssyncadd.s32 $0xFFFFFFFF  }
0xac: {  	s26 =	simm.s32 $execute0_lowered;
	[smem:$0x3FD2] =	sst s25  }
0xad: {  	s6 =	sshll.u32 s26, $0x1;
	_ =	strace $0x80000046;
	[dreg:$0x1] =	wrdreg $0xFFFFFFFF  }
0xae: {  	s28 =	simm.s32 $_size_execute0_lowered;
	s5 =	sadd.s32 s5, s6;
	[dreg:$0x0] =	wrdreg $0x0  }
0xaf: {  	s6 =	sshll.u32 s28, $0x1;
	[dreg:$0x2] =	wrdreg s5  }
0xb0: {  	[dreg:$0x3] =	wrdreg s6  }
0xb1: {  	[dreg:$0x4] =	wrdreg $0xC0  }
0xb2: {  	_ =	task [dreg:s9], $0x5FFFF  }
0xb3: {  	[dreg:$0x1] =	wrdreg $0xFFFFFFFF  }
0xb4: {  	[dreg:$0x0] =	wrdreg $0x60  }
0xb5: {  	[dreg:$0x2] =	wrdreg s16  }
0xb6: {  	[dreg:$0x3] =	wrdreg s4  }
0xb7: {  	[dreg:$0x4] =	wrdreg s17  }
0xb8: {  	[dreg:$0x5] =	wrdreg $0x9  }
0xb9: {  	_ =	task.clear_ibuf [dreg:s9], $0x6FFFF;
	_ =	strace $0x90000046  }
0xba: {  	s29 =	simm.s32 $0x9;
	_ =	strace $0x80000048  }
0xbb: {  	_ =	swait.ge [sflag:s29], $0x1  }
0xbc: {  	[sflag:s29] =	ssyncadd.s32 $0xFFFFFFFF  }
0xbd: {  	_ =	strace $0x90000048  }
0xbe: {  	_ =	sfence  }
0xbf: {  	s30 =	sld [smem:$0x0];
	_ =	sdelay $0x2  }
0xc0: {  	s31 =	sshll.u32 s1, $0xD;
	s1 =	sshrl.u32 s1, $0x2  }
0xc1: {  	s3 =	sand.u32 $0x4000, s31;
	s1 =	sadd.s32 s1, s30  }
0xc2: {  	s0 =	sor.u32 s3, s0;
	s1 =	sshll.u32 s1, $0x11  }
0xc3: {  	s0 =	sor.u32 s1, s0  }
0xc4: {  	s0 =	sadd.s32 $0x8F2B, s0  }
0xc5: {  	[sflag:s0] =	ssyncadd.remote.s32 $0x1  }
0xc6: {  	_ =	sfence.sel $0xFFFF  }
0xc7: {  	[dreg:$0x0] =	wrdreg $0xFFFFFFFF;
	(pc) =	sbr.abs _section_cstart, $3  }
0xc8: {  	[dreg:$0x1] =	wrdreg $0xFFFFFFFF  }
0xc9: {  	_ =	task.clear_ibuf [dreg:s9], $0x2FFFF;
	_ =	strace $0x9FFFFFFF  }
0xca: {  	(tm) =	ssettm $0x7FFFFFFF  }
0xcb: {  	_ =	shalt  }
tec
execute0_lowered:
.L_overlay_start_1:
0x0: {  	(tag) =	ssettag $0x1  }
0x1: {  	s6 =	rddreg [dreg:$0x0]  }
0x2: {  	s2 =	rddreg [dreg:$0x1];
	s1 =	srdreg.scid  }
0x3: {  	s0 =	stileid.u32;
	s7 =	rddreg [dreg:$0x2];
	s11 =	simm.s32 $0x2  }
0x4: {  	s12 =	simm.s32 $0x4E80;
	s13 =	simm.s32 $0x7680;
	s14 =	simm.s32 $0x7700  }
0x5: {  	s15 =	simm.s32 $0x3;
	s16 =	simm.s32 $0x0;
	s4 =	sand.u32 $0x1, s1  }
0x6: {  	s3 =	sshll.u32 s0, $0x1;
	s1 =	rddreg [dreg:$0x3];
	p0 =	sgt.u32 s0, $0x1  }
0x7: {  	s8 =	sor.u32 s4, s3;
	s3 =	simm.s32 $0x0;
	s4 =	ssub.s32 $0x2, s4  }
0x8: {  	s5 =	smul.u32 $0x4E00, s8;
	[smem:$0x7FF] =	sst s3;
	s9 =	sshrl.u32 s4, $0x1  }
0x9: {  	s10 =	smul.u32 $0x9C0, s8;
	s31 =	sshll.u32 s8, $0x5;
	s8 =	sshll.u32 s8, $0x4  }
0xa: {  	_ =	strace $0x80000047;
	s9 =	ssub.s32 s4, s9;
	s7 =	sadd.s32 s7, s8  }
0xb: {  	s5 =	sshrl.u32 s5, $0x3;
	s4 =	sadd.s32 s6, s10;
	s8 =	smax.u32 s9, $0x1  }
0xc: {  	s9 =	simm.s32 $0x2780;
	s5 =	sadd.s32 s6, s5;
	s6 =	sadd.s32 s31, s6  }
0xd: {  	v0 =	vimm.f32 $0.0e+00;
	v1 =	vimm.f32 $1.000000000e+00;
	s10 =	simm.s32 $0x1;
	s5 =	sadd.s32 $0x4E0, s5;
	s6 =	sadd.s32 $0x13800, s6  }
.LBB2_1:
0xe: {  	[tilespmem:s3], [sflag:$0x1] =	stream.linear.gather [hbm4b:s2+s3], $0x2780, $0x38;
	[tilespmem:$0x7780] =	vst v63  }
0xf: {  	_ = 	snop  }
0x10: {  	[tilespmem:s9], [sflag:$0x2] =	stream.linear.gather [hbm4b:s4+s3], $0x2700, $0x38;
	[tilespmem:$0x7780] =	vst v63  }
0x11: {  	_ =	swait.ge [sflag:s10], $0x2780  }
0x12: {  	[sflag:s10] =	ssyncset.done $0x0  }
0x13: {  	[sflag:s10] =	ssyncadd.s32 $0xFFFFD880  }
0x14: {  	_ =	swait.ge [sflag:s11], $0x2700  }
0x15: {  	[sflag:s11] =	ssyncset.done $0x0  }
0x16: {  	[sflag:s11] =	ssyncadd.s32 $0xFFFFD900  }
0x17: {  	[tilespmem:s12], [sflag:$0x2] =	stream.linear.gather [hbm4b:s5+s3], $0x2700, $0x38;
	[tilespmem:$0x7780] =	vst v63  }
0x18: {  	[tilespmem:$0x7680] =	vst v0  }
0x19: {  	[tilespmem:$0x7700] =	vst v0  }
0x1a: {  	[tilespmem:$0x7690] =	vst v0  }
0x1b: {  	[tilespmem:$0x7710] =	vst v0  }
0x1c: {  	[tilespmem:$0x76A0] =	vst v0  }
0x1d: {  	[tilespmem:$0x7720] =	vst v0  }
0x1e: {  	[tilespmem:$0x76B0] =	vst v0  }
0x1f: {  	s17 =	simm.s32 $0x0;
	[tilespmem:$0x7730] =	vst v0  }
0x20: {  	v2 =	vld [tilespmem:s17+$0x27F0]  }
0x21: {  	v3 =	vld [tilespmem:s17+$0x2850]  }
0x22: {  	v4 =	vld [tilespmem:s17+$0x27E0]  }
0x23: {  	v5 =	vld [tilespmem:s17+$0x27A0]  }
0x24: {  	v6 =	vld [tilespmem:s17+$0x27C0]  }
0x25: {  	v7 =	vld [tilespmem:s17+$0x27B0]  }
0x26: {  	v8 =	vld [tilespmem:s17+$0x2840]  }
0x27: {  	v9 =	vld [tilespmem:s17+$0x2820]  }
0x28: {  	v10 =	vld [tilespmem:s17+$0x2870]  }
0x29: {  	v11 =	vld [tilespmem:s17+$0x2860]  }
0x2a: {  	v12 =	vld [tilespmem:s17+$0x2830]  }
0x2b: {  	v13 =	vld [tilespmem:s17+$0x2780]  }
0x2c: {  	v14 =	vld [tilespmem:s17+$0x27D0]  }
0x2d: {  	v15 =	vld [tilespmem:s17+$0x2790]  }
0x2e: {  	v16 =	vld [tilespmem:s17+$0x2800]  }
0x2f: {  	v17 =	vld [tilespmem:s17+$0x2810]  }
0x30: {  	v5 =	vld.idx.msk [tilespmem:v5+s3+$0x0], $0xffff  }
0x31: {  	v6 =	vld.idx.msk [tilespmem:v6+s3+$0x0], $0xffff  }
0x32: {  	v9 =	vld.idx.msk [tilespmem:v9+s3+$0x0], $0xffff  }
0x33: {  	v11 =	vld.idx.msk [tilespmem:v11+s3+$0x0], $0xffff  }
0x34: {  	v7 =	vld.idx.msk [tilespmem:v7+s3+$0x0], $0xffff  }
0x35: {  	v13 =	vld.idx.msk [tilespmem:v13+s3+$0x0], $0xffff  }
0x36: {  	v15 =	vld.idx.msk [tilespmem:v15+s3+$0x0], $0xffff  }
0x37: {  	v16 =	vld.idx.msk [tilespmem:v16+s3+$0x0], $0xffff  }
0x38: {  	v17 =	vld.idx.msk [tilespmem:v17+s3+$0x0], $0xffff  }
0x39: {  	v14 =	vld.idx.msk [tilespmem:v14+s3+$0x0], $0xffff  }
0x3a: {  	v12 =	vld.idx.msk [tilespmem:v12+s3+$0x0], $0xffff  }
0x3b: {  	v8 =	vld.idx.msk [tilespmem:v8+s3+$0x0], $0xffff  }
0x3c: {  	v3 =	vld.idx.msk [tilespmem:v3+s3+$0x0], $0xffff  }
0x3d: {  	v4 =	vld.idx.msk [tilespmem:v4+s3+$0x0], $0xffff;
	vm0 =	veq.s32 v13, v16  }
0x3e: {  	v2 =	vld.idx.msk [tilespmem:v2+s3+$0x0], $0xffff;
	vm1 =	veq.s32 v15, v17  }
0x3f: {  	v63 =	vld.idx.msk [tilespmem:v10+s3+$0x0], $0xffff;
	vm2 =	veq.s32 v5, v9  }
0x40: {  	vm3 =	veq.s32 v7, v12  }
0x41: {  	vm4 =	veq.s32 v6, v8  }
0x42: {  	vm5 =	veq.s32 v14, v3  }
0x43: {  	vm6 =	veq.s32 v4, v11;
	[tilespmem:v13+s13+$0x0] =	vst.idx.add.f32.msk vm0, v1  }
0x44: {  	vm0 =	veq.s32 v2, v63;
	[tilespmem:v15+s14+$0x0] =	vst.idx.add.f32.msk vm1, v1  }
0x45: {  	[tilespmem:v5+s13+$0x0] =	vst.idx.add.f32.msk vm2, v1  }
0x46: {  	[tilespmem:v7+s14+$0x0] =	vst.idx.add.f32.msk vm3, v1  }
0x47: {  	[tilespmem:v6+s13+$0x0] =	vst.idx.add.f32.msk vm4, v1  }
0x48: {  	[tilespmem:v14+s14+$0x0] =	vst.idx.add.f32.msk vm5, v1  }
0x49: {  	s17 =	simm.s32 $0x400;
	[tilespmem:v4+s13+$0x0] =	vst.idx.add.f32.msk vm6, v1  }
.LBB2_2:
0x4a: {  	s18 =	sshra.s32 s17, $0x2;
	p1 =	sne.s32 s17, $0x9800;
	s17 =	sadd.s32 $0x400, s17;
	[tilespmem:v2+s14+$0x0] =	vst.idx.add.f32.msk vm0, v1  }
0x4b: {  	v2 =	vld [tilespmem:s18+$0x27F0]  }
0x4c: {  	v3 =	vld [tilespmem:s18+$0x2850]  }
0x4d: {  	v4 =	vld [tilespmem:s18+$0x27E0]  }
0x4e: {  	v5 =	vld [tilespmem:s18+$0x27A0]  }
0x4f: {  	v6 =	vld [tilespmem:s18+$0x27C0]  }
0x50: {  	v7 =	vld [tilespmem:s18+$0x27B0]  }
0x51: {  	v8 =	vld [tilespmem:s18+$0x2840]  }
0x52: {  	v9 =	vld [tilespmem:s18+$0x2820]  }
0x53: {  	v10 =	vld [tilespmem:s18+$0x2870]  }
0x54: {  	v11 =	vld [tilespmem:s18+$0x2860]  }
0x55: {  	v12 =	vld [tilespmem:s18+$0x2830]  }
0x56: {  	v13 =	vld [tilespmem:s18+$0x2780]  }
0x57: {  	v14 =	vld [tilespmem:s18+$0x27D0]  }
0x58: {  	v15 =	vld [tilespmem:s18+$0x2790]  }
0x59: {  	v5 =	vld.idx.msk [tilespmem:v5+s3+$0x0], $0xffff  }
0x5a: {  	v16 =	vld [tilespmem:s18+$0x2800]  }
0x5b: {  	v17 =	vld [tilespmem:s18+$0x2810]  }
0x5c: {  	v6 =	vld.idx.msk [tilespmem:v6+s3+$0x0], $0xffff  }
0x5d: {  	v9 =	vld.idx.msk [tilespmem:v9+s3+$0x0], $0xffff  }
0x5e: {  	v11 =	vld.idx.msk [tilespmem:v11+s3+$0x0], $0xffff  }
0x5f: {  	v7 =	vld.idx.msk [tilespmem:v7+s3+$0x0], $0xffff  }
0x60: {  	v13 =	vld.idx.msk [tilespmem:v13+s3+$0x0], $0xffff  }
0x61: {  	v14 =	vld.idx.msk [tilespmem:v14+s3+$0x0], $0xffff  }
0x62: {  	v15 =	vld.idx.msk [tilespmem:v15+s3+$0x0], $0xffff  }
0x63: {  	v16 =	vld.idx.msk [tilespmem:v16+s3+$0x0], $0xffff  }
0x64: {  	v17 =	vld.idx.msk [tilespmem:v17+s3+$0x0], $0xffff  }
0x65: {  	v12 =	vld.idx.msk [tilespmem:v12+s3+$0x0], $0xffff  }
0x66: {  	vm1 =	veq.s32 v5, v9;
	v8 =	vld.idx.msk [tilespmem:v8+s3+$0x0], $0xffff  }
0x67: {  	v2 =	vld.idx.msk [tilespmem:v2+s3+$0x0], $0xffff  }
0x68: {  	v3 =	vld.idx.msk [tilespmem:v3+s3+$0x0], $0xffff  }
0x69: {  	vm0 =	veq.s32 v13, v16;
	v4 =	vld.idx.msk [tilespmem:v4+s3+$0x0], $0xffff  }
0x6a: {  	vm2 =	veq.s32 v15, v17;
	v9 =	vld.idx.msk [tilespmem:v10+s3+$0x0], $0xffff  }
0x6b: {  	vm3 =	veq.s32 v7, v12  }
0x6c: {  	vm4 =	veq.s32 v6, v8;
	_ =	sdelay $0x1  }
0x6d: {  	vm5 =	veq.s32 v14, v3  }
0x6e: {  	vm6 =	veq.s32 v4, v11;
	[tilespmem:v13+s13+$0x0] =	vst.idx.add.f32.msk vm0, v1  }
0x6f: {  	vm0 =	veq.s32 v2, v9;
	[tilespmem:v15+s14+$0x0] =	vst.idx.add.f32.msk vm2, v1  }
.Ltmp0:
0x70: {  	[tilespmem:v5+s13+$0x0] =	vst.idx.add.f32.msk vm1, v1;
	(pc) =	sbr.rel @p1 .LBB2_2-.Ltmp0, $4  }
0x71: {  	[tilespmem:v7+s14+$0x0] =	vst.idx.add.f32.msk vm3, v1  }
0x72: {  	[tilespmem:v6+s13+$0x0] =	vst.idx.add.f32.msk vm4, v1  }
0x73: {  	[tilespmem:v14+s14+$0x0] =	vst.idx.add.f32.msk vm5, v1  }
0x74: {  	[tilespmem:v4+s13+$0x0] =	vst.idx.add.f32.msk vm6, v1  }
0x75: {  	_ =	sdelay $0x4  }
0x76: {  	[tilespmem:v2+s14+$0x0] =	vst.idx.add.f32.msk vm0, v1  }
0x77: {  	_ =	swait.ge [sflag:s11], $0x2700  }
0x78: {  	[sflag:s11] =	ssyncset.done $0x0  }
0x79: {  	s17 =	simm.s32 $0x0;
	[sflag:s11] =	ssyncadd.s32 $0xFFFFD900  }
0x7a: {  	v2 =	vld [tilespmem:s17+$0x4EF0]  }
0x7b: {  	v3 =	vld [tilespmem:s17+$0x4F50]  }
0x7c: {  	v4 =	vld [tilespmem:s17+$0x4EE0]  }
0x7d: {  	v5 =	vld [tilespmem:s17+$0x4EA0]  }
0x7e: {  	v6 =	vld [tilespmem:s17+$0x4EC0]  }
0x7f: {  	v7 =	vld [tilespmem:s17+$0x4EB0]  }
0x80: {  	v8 =	vld [tilespmem:s17+$0x4F40]  }
0x81: {  	v9 =	vld [tilespmem:s17+$0x4F20]  }
0x82: {  	v10 =	vld [tilespmem:s17+$0x4F70]  }
0x83: {  	v11 =	vld [tilespmem:s17+$0x4F60]  }
0x84: {  	v12 =	vld [tilespmem:s17+$0x4F30]  }
0x85: {  	v13 =	vld [tilespmem:s17+$0x4E80]  }
0x86: {  	v14 =	vld [tilespmem:s17+$0x4ED0]  }
0x87: {  	v15 =	vld [tilespmem:s17+$0x4E90]  }
0x88: {  	v16 =	vld [tilespmem:s17+$0x4F00]  }
0x89: {  	v17 =	vld [tilespmem:s17+$0x4F10]  }
0x8a: {  	v5 =	vld.idx.msk [tilespmem:v5+s3+$0x0], $0xffff  }
0x8b: {  	v6 =	vld.idx.msk [tilespmem:v6+s3+$0x0], $0xffff  }
0x8c: {  	v9 =	vld.idx.msk [tilespmem:v9+s3+$0x0], $0xffff  }
0x8d: {  	v11 =	vld.idx.msk [tilespmem:v11+s3+$0x0], $0xffff  }
0x8e: {  	v7 =	vld.idx.msk [tilespmem:v7+s3+$0x0], $0xffff  }
0x8f: {  	v13 =	vld.idx.msk [tilespmem:v13+s3+$0x0], $0xffff  }
0x90: {  	v15 =	vld.idx.msk [tilespmem:v15+s3+$0x0], $0xffff  }
0x91: {  	v16 =	vld.idx.msk [tilespmem:v16+s3+$0x0], $0xffff  }
0x92: {  	v17 =	vld.idx.msk [tilespmem:v17+s3+$0x0], $0xffff  }
0x93: {  	v14 =	vld.idx.msk [tilespmem:v14+s3+$0x0], $0xffff  }
0x94: {  	v12 =	vld.idx.msk [tilespmem:v12+s3+$0x0], $0xffff  }
0x95: {  	v8 =	vld.idx.msk [tilespmem:v8+s3+$0x0], $0xffff  }
0x96: {  	v3 =	vld.idx.msk [tilespmem:v3+s3+$0x0], $0xffff  }
0x97: {  	v4 =	vld.idx.msk [tilespmem:v4+s3+$0x0], $0xffff;
	vm0 =	veq.s32 v13, v16  }
0x98: {  	v2 =	vld.idx.msk [tilespmem:v2+s3+$0x0], $0xffff;
	vm1 =	veq.s32 v15, v17  }
0x99: {  	v63 =	vld.idx.msk [tilespmem:v10+s3+$0x0], $0xffff;
	vm2 =	veq.s32 v5, v9  }
0x9a: {  	vm3 =	veq.s32 v7, v12  }
0x9b: {  	vm4 =	veq.s32 v6, v8  }
0x9c: {  	vm5 =	veq.s32 v14, v3  }
0x9d: {  	vm6 =	veq.s32 v4, v11;
	[tilespmem:v13+s13+$0x0] =	vst.idx.add.f32.msk vm0, v1  }
0x9e: {  	vm0 =	veq.s32 v2, v63;
	[tilespmem:v15+s14+$0x0] =	vst.idx.add.f32.msk vm1, v1  }
0x9f: {  	[tilespmem:v5+s13+$0x0] =	vst.idx.add.f32.msk vm2, v1  }
0xa0: {  	[tilespmem:v7+s14+$0x0] =	vst.idx.add.f32.msk vm3, v1  }
0xa1: {  	[tilespmem:v6+s13+$0x0] =	vst.idx.add.f32.msk vm4, v1  }
0xa2: {  	[tilespmem:v14+s14+$0x0] =	vst.idx.add.f32.msk vm5, v1  }
0xa3: {  	s17 =	simm.s32 $0x400;
	[tilespmem:v4+s13+$0x0] =	vst.idx.add.f32.msk vm6, v1  }
.LBB2_4:
0xa4: {  	s18 =	sshra.s32 s17, $0x2;
	p1 =	sne.s32 s17, $0x9800;
	s17 =	sadd.s32 $0x400, s17;
	[tilespmem:v2+s14+$0x0] =	vst.idx.add.f32.msk vm0, v1  }
0xa5: {  	v2 =	vld [tilespmem:s18+$0x4EF0]  }
0xa6: {  	v3 =	vld [tilespmem:s18+$0x4F50]  }
0xa7: {  	v4 =	vld [tilespmem:s18+$0x4EE0]  }
0xa8: {  	v5 =	vld [tilespmem:s18+$0x4EA0]  }
0xa9: {  	v6 =	vld [tilespmem:s18+$0x4EC0]  }
0xaa: {  	v7 =	vld [tilespmem:s18+$0x4EB0]  }
0xab: {  	v8 =	vld [tilespmem:s18+$0x4F40]  }
0xac: {  	v9 =	vld [tilespmem:s18+$0x4F20]  }
0xad: {  	v10 =	vld [tilespmem:s18+$0x4F70]  }
0xae: {  	v11 =	vld [tilespmem:s18+$0x4F60]  }
0xaf: {  	v12 =	vld [tilespmem:s18+$0x4F30]  }
0xb0: {  	v13 =	vld [tilespmem:s18+$0x4E80]  }
0xb1: {  	v14 =	vld [tilespmem:s18+$0x4ED0]  }
0xb2: {  	v15 =	vld [tilespmem:s18+$0x4E90]  }
0xb3: {  	v5 =	vld.idx.msk [tilespmem:v5+s3+$0x0], $0xffff  }
0xb4: {  	v16 =	vld [tilespmem:s18+$0x4F00]  }
0xb5: {  	v17 =	vld [tilespmem:s18+$0x4F10]  }
0xb6: {  	v6 =	vld.idx.msk [tilespmem:v6+s3+$0x0], $0xffff  }
0xb7: {  	v9 =	vld.idx.msk [tilespmem:v9+s3+$0x0], $0xffff  }
0xb8: {  	v11 =	vld.idx.msk [tilespmem:v11+s3+$0x0], $0xffff  }
0xb9: {  	v7 =	vld.idx.msk [tilespmem:v7+s3+$0x0], $0xffff  }
0xba: {  	v13 =	vld.idx.msk [tilespmem:v13+s3+$0x0], $0xffff  }
0xbb: {  	v14 =	vld.idx.msk [tilespmem:v14+s3+$0x0], $0xffff  }
0xbc: {  	v15 =	vld.idx.msk [tilespmem:v15+s3+$0x0], $0xffff  }
0xbd: {  	v16 =	vld.idx.msk [tilespmem:v16+s3+$0x0], $0xffff  }
0xbe: {  	v17 =	vld.idx.msk [tilespmem:v17+s3+$0x0], $0xffff  }
0xbf: {  	v12 =	vld.idx.msk [tilespmem:v12+s3+$0x0], $0xffff  }
0xc0: {  	vm1 =	veq.s32 v5, v9;
	v8 =	vld.idx.msk [tilespmem:v8+s3+$0x0], $0xffff  }
0xc1: {  	v2 =	vld.idx.msk [tilespmem:v2+s3+$0x0], $0xffff  }
0xc2: {  	v3 =	vld.idx.msk [tilespmem:v3+s3+$0x0], $0xffff  }
0xc3: {  	vm0 =	veq.s32 v13, v16;
	v4 =	vld.idx.msk [tilespmem:v4+s3+$0x0], $0xffff  }
0xc4: {  	vm2 =	veq.s32 v15, v17;
	v9 =	vld.idx.msk [tilespmem:v10+s3+$0x0], $0xffff  }
0xc5: {  	vm3 =	veq.s32 v7, v12  }
0xc6: {  	vm4 =	veq.s32 v6, v8;
	_ =	sdelay $0x1  }
0xc7: {  	vm5 =	veq.s32 v14, v3  }
0xc8: {  	vm6 =	veq.s32 v4, v11;
	[tilespmem:v13+s13+$0x0] =	vst.idx.add.f32.msk vm0, v1  }
0xc9: {  	vm0 =	veq.s32 v2, v9;
	[tilespmem:v15+s14+$0x0] =	vst.idx.add.f32.msk vm2, v1  }
.Ltmp1:
0xca: {  	[tilespmem:v5+s13+$0x0] =	vst.idx.add.f32.msk vm1, v1;
	(pc) =	sbr.rel @p1 .LBB2_4-.Ltmp1, $4  }
0xcb: {  	[tilespmem:v7+s14+$0x0] =	vst.idx.add.f32.msk vm3, v1  }
0xcc: {  	[tilespmem:v6+s13+$0x0] =	vst.idx.add.f32.msk vm4, v1  }
0xcd: {  	[tilespmem:v14+s14+$0x0] =	vst.idx.add.f32.msk vm5, v1  }
0xce: {  	[tilespmem:v4+s13+$0x0] =	vst.idx.add.f32.msk vm6, v1  }
0xcf: {  	_ =	sdelay $0x4  }
0xd0: {  	[tilespmem:v2+s14+$0x0] =	vst.idx.add.f32.msk vm0, v1;
	s17 =	simm.s32 @!p0 $0x0;
	s18 =	simm.s32 @!p0 $0x7580  }
0xd1: {  	[tilespmem:s18], [sflag:$0x3] =	stream.linear.gather @!p0 [hbm4b:s6+s17], $0x100, $0x38;
	[tilespmem:$0x7780] =	vst v63  }
0xd2: {  	s18 =	simm.s32 @!p0 $0x3  }
0xd3: {  	_ =	swait.ge @!p0 [sflag:s18], $0x100  }
0xd4: {  	[sflag:s18] =	ssyncset.done @!p0 $0x0  }
0xd5: {  	[sflag:s18] =	ssyncadd.s32 @!p0 $0xFFFFFF00  }
0xd6: {  	v2 =	vld @!p0 [tilespmem:$0x7580]  }
0xd7: {  	v3 =	vld @!p0 [tilespmem:$0x7600]  }
0xd8: {  	v4 =	vld @!p0 [tilespmem:$0x7590]  }
0xd9: {  	v5 =	vld @!p0 [tilespmem:$0x7610]  }
0xda: {  	v6 =	vld @!p0 [tilespmem:$0x75A0]  }
0xdb: {  	v7 =	vld @!p0 [tilespmem:$0x7620]  }
0xdc: {  	v8 =	vld @!p0 [tilespmem:$0x75B0]  }
0xdd: {  	v9 =	vld @!p0 [tilespmem:$0x7630]  }
0xde: {  	v10 =	vld @!p0 [tilespmem:$0x75C0]  }
0xdf: {  	v11 =	vld @!p0 [tilespmem:$0x7640]  }
0xe0: {  	v12 =	vld @!p0 [tilespmem:$0x75D0]  }
0xe1: {  	v13 =	vld @!p0 [tilespmem:$0x7650]  }
0xe2: {  	v14 =	vld @!p0 [tilespmem:$0x75E0]  }
0xe3: {  	v15 =	vld @!p0 [tilespmem:$0x7660]  }
0xe4: {  	v16 =	vld @!p0 [tilespmem:$0x75F0]  }
0xe5: {  	v17 =	vld @!p0 [tilespmem:$0x7670]  }
0xe6: {  	v2 =	vld.idx.msk @!p0 [tilespmem:v2+s17+$0x0], $0xffff  }
0xe7: {  	v3 =	vld.idx.msk @!p0 [tilespmem:v3+s17+$0x0], $0xffff  }
0xe8: {  	v4 =	vld.idx.msk @!p0 [tilespmem:v4+s17+$0x0], $0xffff  }
0xe9: {  	v5 =	vld.idx.msk @!p0 [tilespmem:v5+s17+$0x0], $0xffff  }
0xea: {  	v6 =	vld.idx.msk @!p0 [tilespmem:v6+s17+$0x0], $0xffff  }
0xeb: {  	v7 =	vld.idx.msk @!p0 [tilespmem:v7+s17+$0x0], $0xffff  }
0xec: {  	v8 =	vld.idx.msk @!p0 [tilespmem:v8+s17+$0x0], $0xffff  }
0xed: {  	v9 =	vld.idx.msk @!p0 [tilespmem:v9+s17+$0x0], $0xffff  }
0xee: {  	v10 =	vld.idx.msk @!p0 [tilespmem:v10+s17+$0x0], $0xffff  }
0xef: {  	v11 =	vld.idx.msk @!p0 [tilespmem:v11+s17+$0x0], $0xffff  }
0xf0: {  	v12 =	vld.idx.msk @!p0 [tilespmem:v12+s17+$0x0], $0xffff  }
0xf1: {  	v13 =	vld.idx.msk @!p0 [tilespmem:v13+s17+$0x0], $0xffff  }
0xf2: {  	v14 =	vld.idx.msk @!p0 [tilespmem:v14+s17+$0x0], $0xffff  }
0xf3: {  	v15 =	vld.idx.msk @!p0 [tilespmem:v15+s17+$0x0], $0xffff;
	vm0 =	veq.s32 @!p0 v2, v3  }
0xf4: {  	v3 =	vld.idx.msk @!p0 [tilespmem:v16+s17+$0x0], $0xffff;
	vm1 =	veq.s32 @!p0 v4, v5  }
0xf5: {  	v5 =	vld.idx.msk @!p0 [tilespmem:v17+s17+$0x0], $0xffff;
	vm2 =	veq.s32 @!p0 v6, v7  }
0xf6: {  	vm3 =	veq.s32 @!p0 v8, v9  }
0xf7: {  	vm4 =	veq.s32 @!p0 v10, v11  }
0xf8: {  	v7 =	vimm.f32 @!p0 $1.000000000e+00;
	s17 =	simm.s32 @!p0 $0x7680;
	vm5 =	veq.s32 @!p0 v12, v13  }
0xf9: {  	s18 =	simm.s32 @!p0 $0x7700;
	[tilespmem:v2+s17+$0x0] =	vst.idx.add.f32.msk @!p0 vm0, v7;
	vm0 =	veq.s32 @!p0 v14, v15  }
0xfa: {  	[tilespmem:v4+s18+$0x0] =	vst.idx.add.f32.msk @!p0 vm1, v7;
	vm1 =	veq.s32 @!p0 v3, v5  }
0xfb: {  	[tilespmem:v6+s17+$0x0] =	vst.idx.add.f32.msk @!p0 vm2, v7  }
0xfc: {  	[tilespmem:v8+s18+$0x0] =	vst.idx.add.f32.msk @!p0 vm3, v7  }
0xfd: {  	[tilespmem:v10+s17+$0x0] =	vst.idx.add.f32.msk @!p0 vm4, v7  }
0xfe: {  	[tilespmem:v12+s18+$0x0] =	vst.idx.add.f32.msk @!p0 vm5, v7  }
0xff: {  	[tilespmem:v14+s17+$0x0] =	vst.idx.add.f32.msk @!p0 vm0, v7  }
0x100: {  	[tilespmem:v3+s18+$0x0] =	vst.idx.add.f32.msk @!p0 vm1, v7  }
0x101: {  	v2 =	vld [tilespmem:$0x7680]  }
0x102: {  	v3 =	vld [tilespmem:$0x7700]  }
0x103: {  	v4 =	vld [tilespmem:$0x7690]  }
0x104: {  	v62 =	vld [tilespmem:$0x7710]  }
0x105: {  	v6 =	vld [tilespmem:$0x76A0]  }
0x106: {  	v7 =	vld [tilespmem:$0x7720]  }
0x107: {  	v8 =	vld [tilespmem:$0x76B0]  }
0x108: {  	v63 =	vld [tilespmem:$0x7730];
	_ =	sdelay $0x1  }
0x109: {  	v2 =	vadd.f32 v3, v2  }
0x10a: {  	v3 =	vadd.f32 v62, v4  }
0x10b: {  	[tilespmem:$0x7680] =	vst v2;
	v2 =	vadd.f32 v7, v6  }
0x10c: {  	s16 =	sadd.s32 $0x1, s16;
	[tilespmem:$0x7690] =	vst v3;
	v3 =	vadd.f32 v63, v8  }
0x10d: {  	p1 =	sne.s32 s16, s8;
	[tilespmem:$0x76A0] =	vst v2  }
.Ltmp2:
0x10e: {  	[tilespmem:$0x76B0] =	vst v3;
	(pc) =	sbr.rel @p1 .LBB2_1-.Ltmp2, $4  }
0x10f: {  	[hbm4b:s7+s3] =	stream.linear.scatter [tilespmem:s13], [sflag:$0x3], $0x80, $0x38;
	[tilespmem:$0x7780] =	vst v63  }
0x110: {  	_ =	swait.ge [sflag:s15], $0x80  }
0x111: {  	[sflag:s15] =	ssyncset.done $0x0  }
0x112: {  	[sflag:s15] =	ssyncadd.s32 $0xFFFFFF80  }
0x113: {  	_ =	sfence.sel $0x180000  }
0x114: {  	[bflag:$0x0] =	sbarrier.arrive $0xFFFF  }
0x115: {  	p0 =	sne.s32 s0, $0x0;
	_ =	strace $0x90000047  }
0x116: {  	s0 =	sadd.s32 @!p0 $0x100000, s1;
	[bflag:$0x2] =	sbarrier.arrive $0xFFFF  }
0x117: {  	[sflag:s0] =	ssyncadd.tile.s32 @!p0 $0x1;
	_ =	shalt  }
.Lfunc_end2:
_tile_overlayer_lowered:
.L_overlay_start_2:
0x118: {  	(tag) =	ssettag $0x2  }
0x119: {  	s0 =	rddreg [dreg:$0x0];
	s2 =	stileid.u32  }
0x11a: {  	s1 =	rddreg [dreg:$0x1];
	p0 =	sne.s32 s2, $0x0  }
0x11b: {  	s3 =	rddreg [dreg:$0x2];
	[bflag:$0x3] =	sbarrier.arrive $0xFFFF;
	s2 =	simm.s32 @!p0 $0x1C03  }
0x11c: {  	[timem:s3], [sflag:s2] =	dma.local @!p0 [hbm:s0], s1  }
0x11d: {  	s0 =	simm.s32 @!p0 $0x3  }
0x11e: {  	_ =	swait.ge @!p0 [sflag:s0], s1  }
0x11f: {  	s1 =	ssub.s32 @!p0 $0x0, s1;
	[sflag:s0] =	ssyncset.done @!p0 $0x0  }
0x120: {  	[sflag:s0] =	ssyncadd.s32 @!p0 s1  }
0x121: {  	[bflag:$0x3] =	sbarrier.arrive $0xFFFF  }
0x122: {  	_ =	shalt  }

</sc_bundles>
